<compile_context>
chip_gen: v7x
topology: tpu7x:2x2x1
jax: 0.10.2.dev20260603
libtpu: 0.0.44.dev20260713+nightly
codegen_flags: <defaults>
</compile_context>

<pallas_src>
import functools

import jax
import jax.numpy as jnp
from jax import lax
from jax.experimental import pallas as pl
from jax.experimental.pallas import tpu as pltpu
from jax.experimental.pallas import tpu_sc as plsc

NC = 2
NS = 16
NW = NC * NS
L = 16
HB = 8


def _scatter_kernel(M, D, B):
    blocks = M // HB
    assert blocks * HB == M
    BLO = blocks // NW
    EXTRA = blocks % NW
    RMAX = (BLO + 1) * HB
    WCAP = ((RMAX + L - 1) // L) * L
    LCAP = WCAP + 2 * L
    CC = 120
    NFULL = (BLO * HB) // CC
    assert NFULL * CC == BLO * HB
    NSCAN = B // L
    SCANK = -(-NSCAN // NFULL)
    UCAP = LCAP // L

    mesh = plsc.VectorSubcoreMesh(core_axis_name="c", subcore_axis_name="s")

    @functools.partial(
        pl.kernel,
        out_type=jax.ShapeDtypeStruct((M, D), jnp.float32),
        mesh=mesh,
        compiler_params=pltpu.CompilerParams(needs_layout_passes=False),
        scratch_types=[
            pltpu.VMEM((B,), jnp.int32),
            pltpu.VMEM((WCAP,), jnp.int32),
            pltpu.VMEM((LCAP,), jnp.int32),
            pltpu.VMEM((LCAP,), jnp.int32),
            pltpu.VMEM((4, CC, D), jnp.float32),
            pltpu.VMEM((HB, D), jnp.float32),
            pltpu.VMEM((4, L, D), jnp.float32),
            pltpu.SemaphoreType.DMA,
            pltpu.SemaphoreType.DMA,
            pltpu.SemaphoreType.DMA,
            pltpu.SemaphoreType.DMA,
            pltpu.SemaphoreType.DMA,
        ],
    )
    def k(sav, idx_h, qp, out, idx_v, winner, rowl, posl, cbuf, tbuf, gb,
          sem_idx, sem_r, sem_w, sem_g, sem_s):
        wid = lax.axis_index("s") * NC + lax.axis_index("c")
        base = (wid * BLO + jnp.minimum(wid, EXTRA)) * HB
        rows_w = (BLO + jnp.where(wid < EXTRA, 1, 0)) * HB
        iota = lax.iota(jnp.int32, L)

        def rd(t):
            return pltpu.make_async_copy(
                sav.at[pl.ds(base + t * CC, CC)], cbuf.at[t % 4], sem_r)

        def wr(t):
            return pltpu.make_async_copy(
                cbuf.at[t % 4], out.at[pl.ds(base + t * CC, CC)], sem_w)

        cp_idx = pltpu.async_copy(idx_h, idx_v, sem_idx)
        rd(0).start()
        rd(1).start()
        rd(2).start()

        minus1 = jnp.full((L,), -1, jnp.int32)

        def initb(i, c):
            winner[pl.ds(i * L, L)] = minus1
            return c

        lax.fori_loop(0, WCAP // L, initb, 0)
        cp_idx.wait()

        def scan_chunk(i):
            p0 = i * L
            pv = iota + p0
            r = idx_v[pl.ds(p0, L)] - base
            m = (r >= 0) & (r < rows_w)
            rc = jnp.where(m, r, 0)
            plsc.store_scatter(winner, [rc], pv, mask=m)
            w0 = plsc.load_gather(winner, [rc], mask=m)

            def cond(w):
                return jnp.any(m & (w < pv))

            def retry(w):
                plsc.store_scatter(winner, [rc], pv, mask=m & (w < pv))
                return plsc.load_gather(winner, [rc], mask=m)

            lax.while_loop(cond, retry, w0)

        def copyb(t, c):
            def scanb(j, c2):
                sidx = t * SCANK + 2 * j
                for u in range(2):
                    @pl.when(sidx + u < NSCAN)
                    def _():
                        scan_chunk(sidx + u)

                return c2

            lax.fori_loop(0, SCANK // 2, scanb, 0)

            rd(t).wait()
            wr(t).start()

            @pl.when(t >= 1)
            def _():
                wr(t - 1).wait()

            @pl.when(t + 3 < NFULL)
            def _():
                rd(t + 3).start()

            return c

        lax.fori_loop(0, NFULL, copyb, 0)
        wr(0).wait()

        @pl.when(rows_w > NFULL * CC)
        def _():
            tb = base + NFULL * CC
            pltpu.async_copy(sav.at[pl.ds(tb, HB)], tbuf, sem_r).wait()
            pltpu.async_copy(tbuf, out.at[pl.ds(tb, HB)], sem_w).wait()

        def compb(j, carry):
            off, lastr = carry
            rv = iota + j * L
            wv = winner[pl.ds(j * L, L)]
            m = wv >= 0
            plsc.store_compressed(rowl.at[pl.ds(off, L)], rv + base, mask=m)
            plsc.store_compressed(posl.at[pl.ds(off, L)], wv, mask=m)
            cnt = jnp.sum(m.astype(jnp.int32))
            lastr = jnp.maximum(lastr, jnp.max(jnp.where(m, rv, -1)))
            return off + cnt, lastr

        n_upd, lastr = lax.fori_loop(0, WCAP // L, compb, (0, -1))

        lastr_vec = jnp.broadcast_to(jnp.maximum(lastr, 0), (L,))
        lastp_vec = plsc.load_gather(winner, [lastr_vec])
        rowl[pl.ds(n_upd, L)] = lastr_vec + base
        posl[pl.ds(n_upd, L)] = lastp_vec

        nch_u = (n_upd + L - 1) // L

        def g(t):
            pv = posl[pl.ds(t * L, L)]
            return pltpu.make_async_copy(qp.at[pv], gb.at[t % 4], sem_g)

        def sca(t):
            rv = rowl[pl.ds(t * L, L)]
            return pltpu.make_async_copy(gb.at[t % 4], out.at[rv], sem_s)

        @pl.when(nch_u > 0)
        def _():
            g(0).start()

        @pl.when(nch_u > 1)
        def _():
            g(1).start()

        def ubody(t, c):
            @pl.when(t < nch_u)
            def _():
                @pl.when(t >= 2)
                def _():
                    sca(t - 2).wait()

                @pl.when(t + 2 < nch_u)
                def _():
                    g(t + 2).start()

                g(t).wait()
                sca(t).start()

            return c

        lax.fori_loop(0, UCAP, ubody, 0)

        @pl.when(nch_u >= 1)
        def _():
            sca(0).wait()

        @pl.when(nch_u >= 2)
        def _():
            sca(0).wait()

    return k


def kernel(state_action_values, action, q_prime):
    M, D = state_action_values.shape
    B = q_prime.shape[0]
    idx = action.reshape(B)
    k = _scatter_kernel(M, D, B)
    return k(state_action_values, idx, q_prime)

# --- scband reference (transcript-rebuilt; emitter-appended) ---
"""Pipeline reference for scband-my-layer-22763326669069 (READ-ONLY COPY).

The authoritative reference and input builder live on the scoring server;
editing this copy changes nothing except your own understanding.
"""

import jax, jax.numpy as jnp
import numpy as np


def setup_inputs(seed: int = 0) -> dict:
    key = jax.random.key(seed)
    k1, k2, k3 = jax.random.split(key, 3)
    M, d, B = 100000, 128, 16384
    state_action_values = jax.random.normal(k1, (M, d), dtype=jnp.float32)
    action = jax.random.randint(k2, (B, 1), 0, M, dtype=jnp.int32)
    q_prime = jax.random.normal(k3, (B, d), dtype=jnp.float32)
    return {
        "state_action_values": state_action_values,
        "action": action,
        "q_prime": q_prime,
    }


def reference(state_action_values, action, q_prime):
    # tf.tensor_scatter_nd_update(state_action_values, action, q_prime)
    # action has shape [B, 1] -> indexes rows of state_action_values along axis 0;
    # q_prime rows overwrite the selected rows (scatter-overwrite).
    idx = action[:, 0]
    out = state_action_values.at[idx].set(q_prime)
    return out

if __name__ == "__main__":
    import jax
    _d = setup_inputs()
    print(jax.jit(kernel)(*tuple(_d.values())))

</pallas_src>

<mosaic_0001>
#map = affine_map<(d0, d1) -> (0, 0)>
#map1 = affine_map<(d0, d1) -> (0)>
module attributes {stable_mosaic.version = 14 : i64} {
  func.func @k(%arg0: i32, %arg1: i32, %arg2: memref<100000x128xf32, #tpu.memory_space<hbm>>, %arg3: memref<16384xi32, #tpu.memory_space<hbm>>, %arg4: memref<16384x128xf32, #tpu.memory_space<hbm>>, %arg5: memref<100000x128xf32, #tpu.memory_space<hbm>>, %arg6: memref<16384xi32, #tpu.memory_space<vmem>>, %arg7: memref<3136xi32, #tpu.memory_space<vmem>>, %arg8: memref<3168xi32, #tpu.memory_space<vmem>>, %arg9: memref<3168xi32, #tpu.memory_space<vmem>>, %arg10: memref<4x120x128xf32, #tpu.memory_space<vmem>>, %arg11: memref<8x128xf32, #tpu.memory_space<vmem>>, %arg12: memref<4x16x128xf32, #tpu.memory_space<vmem>>, %arg13: memref<!tpu.dma_semaphore, #tpu.memory_space<semaphore_mem>>, %arg14: memref<!tpu.dma_semaphore, #tpu.memory_space<semaphore_mem>>, %arg15: memref<!tpu.dma_semaphore, #tpu.memory_space<semaphore_mem>>, %arg16: memref<!tpu.dma_semaphore, #tpu.memory_space<semaphore_mem>>, %arg17: memref<!tpu.dma_semaphore, #tpu.memory_space<semaphore_mem>>) attributes {dimension_semantics = [#tpu.dimension_semantics<core_parallel>, #tpu.dimension_semantics<subcore_parallel>], iteration_bounds = array<i64: 2, 16>, scalar_prefetch = 0 : i64, scratch_operands = 12 : i64, tpu.core_type = #tpu.core_type<sc_vector_subcore>, window_params = [{transform_indices = #map}, {transform_indices = #map1}, {transform_indices = #map}, {transform_indices = #map}]} {
    %mul3A = arith.constant 2 : i32
    %mul3A_0 = arith.muli %arg1, %mul3A : i32
    %add3A = arith.addi %mul3A_0, %arg0 : i32
    %mul3A_1 = arith.constant 390 : i32
    %mul3A_2 = arith.muli %add3A, %mul3A_1 : i32
    %min3A = arith.constant 20 : i32
    %min3A_3 = arith.minsi %add3A, %min3A : i32
    %add3A_4 = arith.addi %mul3A_2, %min3A_3 : i32
    %mul3A_5 = arith.constant 8 : i32
    %mul3A_6 = arith.muli %add3A_4, %mul3A_5 : i32
    %lt3A = arith.constant 20 : i32
    %lt3A_7 = arith.cmpi slt, %add3A, %lt3A : i32
    %jit3A = arith.constant 1 : i32
    %jit3A_8 = arith.constant 0 : i32
    %select_n3A = arith.select %lt3A_7, %jit3A, %jit3A_8 : i32
    %add3A_9 = arith.constant 390 : i32
    %add3A_10 = arith.addi %add3A_9, %select_n3A : i32
    %mul3A_11 = arith.constant 8 : i32
    %mul3A_12 = arith.muli %add3A_10, %mul3A_11 : i32
    %iota3A = tpu.iota {dimensions = array<i32: 0>} : vector<16xi32>
    tpu.enqueue_dma source(%arg3 : memref<16384xi32, #tpu.memory_space<hbm>>) target(%arg6 : memref<16384xi32, #tpu.memory_space<vmem>>) target_semaphore(%arg13 : memref<!tpu.dma_semaphore, #tpu.memory_space<semaphore_mem>>)
    %add3A_13 = arith.constant 0 : i32
    %add3A_14 = arith.addi %mul3A_6, %add3A_13 : i32
    %dma_start3A = arith.constant 0 : i32
    %dma_start3A_15 = arith.constant 0 : i32
    %dma_start3A_16 = arith.constant 0 : i32
    %dma_start3A_17 = tpu.memref_slice %arg10[%dma_start3A, %dma_start3A_15, %dma_start3A_16] : memref<4x120x128xf32, #tpu.memory_space<vmem>> -> memref<1x120x128xf32, #tpu.memory_space<vmem>>
    %dma_start3A_18 = tpu.memref_squeeze %dma_start3A_17 : memref<1x120x128xf32, #tpu.memory_space<vmem>> -> memref<120x128xf32, #tpu.memory_space<vmem>>
    %dma_start3A_19 = arith.constant 0 : i32
    %dma_start3A_20 = tpu.memref_slice %arg2[%add3A_14, %dma_start3A_19] : memref<100000x128xf32, #tpu.memory_space<hbm>> -> memref<120x128xf32, #tpu.memory_space<hbm>>
    %dma_start3A_21 = arith.constant 0 : i32
    %dma_start3A_22 = arith.constant 0 : i32
    %dma_start3A_23 = tpu.memref_slice %arg10[%dma_start3A, %dma_start3A_21, %dma_start3A_22] : memref<4x120x128xf32, #tpu.memory_space<vmem>> -> memref<1x120x128xf32, #tpu.memory_space<vmem>>
    %dma_start3A_24 = tpu.memref_squeeze %dma_start3A_23 : memref<1x120x128xf32, #tpu.memory_space<vmem>> -> memref<120x128xf32, #tpu.memory_space<vmem>>
    %dma_start3A_25 = arith.constant 0 : i32
    %dma_start3A_26 = tpu.memref_slice %arg2[%add3A_14, %dma_start3A_25] : memref<100000x128xf32, #tpu.memory_space<hbm>> -> memref<120x128xf32, #tpu.memory_space<hbm>>
    tpu.enqueue_dma source(%dma_start3A_26 : memref<120x128xf32, #tpu.memory_space<hbm>>) target(%dma_start3A_24 : memref<120x128xf32, #tpu.memory_space<vmem>>) target_semaphore(%arg14 : memref<!tpu.dma_semaphore, #tpu.memory_space<semaphore_mem>>)
    %add3A_27 = arith.constant 120 : i32
    %add3A_28 = arith.addi %mul3A_6, %add3A_27 : i32
    %dma_start3A_29 = arith.constant 1 : i32
    %dma_start3A_30 = arith.constant 0 : i32
    %dma_start3A_31 = arith.constant 0 : i32
    %dma_start3A_32 = tpu.memref_slice %arg10[%dma_start3A_29, %dma_start3A_30, %dma_start3A_31] : memref<4x120x128xf32, #tpu.memory_space<vmem>> -> memref<1x120x128xf32, #tpu.memory_space<vmem>>
    %dma_start3A_33 = tpu.memref_squeeze %dma_start3A_32 : memref<1x120x128xf32, #tpu.memory_space<vmem>> -> memref<120x128xf32, #tpu.memory_space<vmem>>
    %dma_start3A_34 = arith.constant 0 : i32
    %dma_start3A_35 = tpu.memref_slice %arg2[%add3A_28, %dma_start3A_34] : memref<100000x128xf32, #tpu.memory_space<hbm>> -> memref<120x128xf32, #tpu.memory_space<hbm>>
    %dma_start3A_36 = arith.constant 0 : i32
    %dma_start3A_37 = arith.constant 0 : i32
    %dma_start3A_38 = tpu.memref_slice %arg10[%dma_start3A_29, %dma_start3A_36, %dma_start3A_37] : memref<4x120x128xf32, #tpu.memory_space<vmem>> -> memref<1x120x128xf32, #tpu.memory_space<vmem>>
    %dma_start3A_39 = tpu.memref_squeeze %dma_start3A_38 : memref<1x120x128xf32, #tpu.memory_space<vmem>> -> memref<120x128xf32, #tpu.memory_space<vmem>>
    %dma_start3A_40 = arith.constant 0 : i32
    %dma_start3A_41 = tpu.memref_slice %arg2[%add3A_28, %dma_start3A_40] : memref<100000x128xf32, #tpu.memory_space<hbm>> -> memref<120x128xf32, #tpu.memory_space<hbm>>
    tpu.enqueue_dma source(%dma_start3A_41 : memref<120x128xf32, #tpu.memory_space<hbm>>) target(%dma_start3A_39 : memref<120x128xf32, #tpu.memory_space<vmem>>) target_semaphore(%arg14 : memref<!tpu.dma_semaphore, #tpu.memory_space<semaphore_mem>>)
    %add3A_42 = arith.constant 240 : i32
    %add3A_43 = arith.addi %mul3A_6, %add3A_42 : i32
    %dma_start3A_44 = arith.constant 2 : i32
    %dma_start3A_45 = arith.constant 0 : i32
    %dma_start3A_46 = arith.constant 0 : i32
    %dma_start3A_47 = tpu.memref_slice %arg10[%dma_start3A_44, %dma_start3A_45, %dma_start3A_46] : memref<4x120x128xf32, #tpu.memory_space<vmem>> -> memref<1x120x128xf32, #tpu.memory_space<vmem>>
    %dma_start3A_48 = tpu.memref_squeeze %dma_start3A_47 : memref<1x120x128xf32, #tpu.memory_space<vmem>> -> memref<120x128xf32, #tpu.memory_space<vmem>>
    %dma_start3A_49 = arith.constant 0 : i32
    %dma_start3A_50 = tpu.memref_slice %arg2[%add3A_43, %dma_start3A_49] : memref<100000x128xf32, #tpu.memory_space<hbm>> -> memref<120x128xf32, #tpu.memory_space<hbm>>
    %dma_start3A_51 = arith.constant 0 : i32
    %dma_start3A_52 = arith.constant 0 : i32
    %dma_start3A_53 = tpu.memref_slice %arg10[%dma_start3A_44, %dma_start3A_51, %dma_start3A_52] : memref<4x120x128xf32, #tpu.memory_space<vmem>> -> memref<1x120x128xf32, #tpu.memory_space<vmem>>
    %dma_start3A_54 = tpu.memref_squeeze %dma_start3A_53 : memref<1x120x128xf32, #tpu.memory_space<vmem>> -> memref<120x128xf32, #tpu.memory_space<vmem>>
    %dma_start3A_55 = arith.constant 0 : i32
    %dma_start3A_56 = tpu.memref_slice %arg2[%add3A_43, %dma_start3A_55] : memref<100000x128xf32, #tpu.memory_space<hbm>> -> memref<120x128xf32, #tpu.memory_space<hbm>>
    tpu.enqueue_dma source(%dma_start3A_56 : memref<120x128xf32, #tpu.memory_space<hbm>>) target(%dma_start3A_54 : memref<120x128xf32, #tpu.memory_space<vmem>>) target_semaphore(%arg14 : memref<!tpu.dma_semaphore, #tpu.memory_space<semaphore_mem>>)
    %broadcast_in_dim3A = arith.constant -1 : i32
    %broadcast_in_dim3A_57 = vector.broadcast %broadcast_in_dim3A : i32 to vector<16xi32>
    %scan3A = arith.constant 0 : i32
    %scan3A_58 = arith.constant 0 : i32
    %scan3A_59 = arith.constant 196 : i32
    %scan3A_60 = arith.addi %scan3A_58, %scan3A_59 : i32
    %scan3A_61 = arith.constant 1 : i32
    scf.for %scan3A_147 = %scan3A_58 to %scan3A_60 step %scan3A_61  : i32 {
      %mul3A_148 = arith.constant 16 : i32
      %mul3A_149 = arith.muli %scan3A_147, %mul3A_148 : i32
      %swap3A_150 = arith.index_cast %mul3A_149 : i32 to index
      %swap3A_151 = tpu.vector_load %arg7[%swap3A_150] {strides = array<i32>} : memref<3136xi32, #tpu.memory_space<vmem>>, vector<16xi32>,
      tpu.vector_store %arg7[%swap3A_150], %broadcast_in_dim3A_57 {strides = array<i32>} : memref<3136xi32, #tpu.memory_space<vmem>>, vector<16xi32>,
    }
    %scan3A_62 = arith.constant 196 : i32
    tpu.wait_dma2 semaphore(%arg13 : memref<!tpu.dma_semaphore, #tpu.memory_space<semaphore_mem>>) src(%arg3 : memref<16384xi32, #tpu.memory_space<hbm>>) dst(%arg6 : memref<16384xi32, #tpu.memory_space<vmem>>)
    %scan3A_63 = arith.constant 0 : i32
    %scan3A_64 = arith.constant 0 : i32
    %scan3A_65 = arith.constant 26 : i32
    %scan3A_66 = arith.addi %scan3A_64, %scan3A_65 : i32
    %scan3A_67 = arith.constant 1 : i32
    scf.for %scan3A_147 = %scan3A_64 to %scan3A_66 step %scan3A_67  : i32 {
      %scan3A_148 = arith.constant 0 : i32
      %scan3A_149 = arith.constant 0 : i32
      %scan3A_150 = arith.constant 20 : i32
      %scan3A_151 = arith.addi %scan3A_149, %scan3A_150 : i32
      %scan3A_152 = arith.constant 1 : i32
      scf.for %scan3A_227 = %scan3A_149 to %scan3A_151 step %scan3A_152  : i32 {
        %mul3A_228 = arith.constant 40 : i32
        %mul3A_229 = arith.muli %scan3A_147, %mul3A_228 : i32
        %mul3A_230 = arith.constant 2 : i32
        %mul3A_231 = arith.muli %mul3A_230, %scan3A_227 : i32
        %add3A_232 = arith.addi %mul3A_229, %mul3A_231 : i32
        %add3A_233 = arith.constant 0 : i32
        %add3A_234 = arith.addi %add3A_232, %add3A_233 : i32
        %lt3A_235 = arith.constant 1024 : i32
        %lt3A_236 = arith.cmpi slt, %add3A_234, %lt3A_235 : i32
        %convert_element_type3A_237 = arith.extui %lt3A_236 : i1 to i32
        %cond3A_238 = arith.constant 0 : i32
        %cond3A_239 = arith.cmpi ne, %convert_element_type3A_237, %cond3A_238 : i32
        scf.if %cond3A_239 {
          %add3A_247 = arith.constant 0 : i32
          %add3A_248 = arith.addi %add3A_232, %add3A_247 : i32
          %mul3A_249 = arith.constant 16 : i32
          %mul3A_250 = arith.muli %add3A_248, %mul3A_249 : i32
          %add3A_251 = vector.broadcast %mul3A_250 : i32 to vector<16xi32>
          %add3A_252 = arith.addi %iota3A, %add3A_251 : vector<16xi32>
          %get3A = arith.index_cast %mul3A_250 : i32 to index
          %get3A_253 = tpu.vector_load %arg6[%get3A] {strides = array<i32>} : memref<16384xi32, #tpu.memory_space<vmem>>, vector<16xi32>,
          %sub3A_254 = vector.broadcast %mul3A_6 : i32 to vector<16xi32>
          %sub3A_255 = arith.subi %get3A_253, %sub3A_254 : vector<16xi32>
          %ge3A_256 = arith.constant 0 : i32
          %ge3A_257 = vector.broadcast %ge3A_256 : i32 to vector<16xi32>
          %ge3A_258 = arith.cmpi sge, %sub3A_255, %ge3A_257 : vector<16xi32>
          %lt3A_259 = vector.broadcast %mul3A_12 : i32 to vector<16xi32>
          %lt3A_260 = arith.cmpi slt, %sub3A_255, %lt3A_259 : vector<16xi32>
          %and3A_261 = arith.andi %ge3A_258, %lt3A_260 : vector<16xi1>
          %jit3A_262 = arith.constant 0 : i32
          %broadcast_in_dim3A_263 = vector.broadcast %jit3A_262 : i32 to vector<16xi32>
          %select_n3A_264 = arith.select %and3A_261, %sub3A_255, %broadcast_in_dim3A_263 : vector<16xi1>, vector<16xi32>
          tpu.vector_store_idx %arg7[%select_n3A_264], %add3A_252 masked %and3A_261 : memref<3136xi32, #tpu.memory_space<vmem>>[vector<16xi32>], vector<16xi32>, vector<16xi1>
          %gather3A_265 = tpu.vector_load_idx %arg7[%select_n3A_264] masked %and3A_261 : memref<3136xi32, #tpu.memory_space<vmem>>[vector<16xi32>], vector<16xi32>, vector<16xi1>
          %while3A = scf.while (%while3A_266 = %gather3A_265) : (vector<16xi32>) -> vector<16xi32> {
            %lt3A_267 = arith.cmpi slt, %while3A_266, %add3A_252 : vector<16xi32>
            %and3A_268 = arith.andi %and3A_261, %lt3A_267 : vector<16xi1>
            %reduce_or3A = arith.constant 1.000000e+00 : f32
            %reduce_or3A_269 = arith.constant 0.000000e+00 : f32
            %reduce_or3A_270 = vector.broadcast %reduce_or3A : f32 to vector<16xf32>
            %reduce_or3A_271 = vector.broadcast %reduce_or3A_269 : f32 to vector<16xf32>
            %reduce_or3A_272 = arith.select %and3A_268, %reduce_or3A_270, %reduce_or3A_271 : vector<16xi1>, vector<16xf32>
            %reduce_or3A_273 = arith.constant true
            %reduce_or3A_274 = vector.broadcast %reduce_or3A_273 : i1 to vector<16xi1>
            %reduce_or3A_275 = tpu.scan <max>, %reduce_or3A_272 masked %reduce_or3A_274 : vector<16xf32>, vector<16xi1> -> vector<16xf32>
            %reduce_or3A_276 = vector.extract %reduce_or3A_275[15] : f32 from vector<16xf32>
            %reduce_or3A_277 = arith.constant 0.000000e+00 : f32
            %reduce_or3A_278 = arith.cmpf ogt, %reduce_or3A_276, %reduce_or3A_277 : f32
            scf.condition(%reduce_or3A_278) %while3A_266 : vector<16xi32>
          } do {
          ^bb0(%while3A_266: vector<16xi32>):
            %lt3A_267 = arith.cmpi slt, %while3A_266, %add3A_252 : vector<16xi32>
            %and3A_268 = arith.andi %and3A_261, %lt3A_267 : vector<16xi1>
            tpu.vector_store_idx %arg7[%select_n3A_264], %add3A_252 masked %and3A_268 : memref<3136xi32, #tpu.memory_space<vmem>>[vector<16xi32>], vector<16xi32>, vector<16xi1>
            %gather3A_269 = tpu.vector_load_idx %arg7[%select_n3A_264] masked %and3A_261 : memref<3136xi32, #tpu.memory_space<vmem>>[vector<16xi32>], vector<16xi32>, vector<16xi1>
            scf.yield %gather3A_269 : vector<16xi32>
          }
        } else {
        }
        %add3A_240 = arith.constant 1 : i32
        %add3A_241 = arith.addi %add3A_232, %add3A_240 : i32
        %lt3A_242 = arith.constant 1024 : i32
        %lt3A_243 = arith.cmpi slt, %add3A_241, %lt3A_242 : i32
        %convert_element_type3A_244 = arith.extui %lt3A_243 : i1 to i32
        %cond3A_245 = arith.constant 0 : i32
        %cond3A_246 = arith.cmpi ne, %convert_element_type3A_244, %cond3A_245 : i32
        scf.if %cond3A_246 {
          %add3A_247 = arith.constant 1 : i32
          %add3A_248 = arith.addi %add3A_232, %add3A_247 : i32
          %mul3A_249 = arith.constant 16 : i32
          %mul3A_250 = arith.muli %add3A_248, %mul3A_249 : i32
          %add3A_251 = vector.broadcast %mul3A_250 : i32 to vector<16xi32>
          %add3A_252 = arith.addi %iota3A, %add3A_251 : vector<16xi32>
          %get3A = arith.index_cast %mul3A_250 : i32 to index
          %get3A_253 = tpu.vector_load %arg6[%get3A] {strides = array<i32>} : memref<16384xi32, #tpu.memory_space<vmem>>, vector<16xi32>,
          %sub3A_254 = vector.broadcast %mul3A_6 : i32 to vector<16xi32>
          %sub3A_255 = arith.subi %get3A_253, %sub3A_254 : vector<16xi32>
          %ge3A_256 = arith.constant 0 : i32
          %ge3A_257 = vector.broadcast %ge3A_256 : i32 to vector<16xi32>
          %ge3A_258 = arith.cmpi sge, %sub3A_255, %ge3A_257 : vector<16xi32>
          %lt3A_259 = vector.broadcast %mul3A_12 : i32 to vector<16xi32>
          %lt3A_260 = arith.cmpi slt, %sub3A_255, %lt3A_259 : vector<16xi32>
          %and3A_261 = arith.andi %ge3A_258, %lt3A_260 : vector<16xi1>
          %jit3A_262 = arith.constant 0 : i32
          %broadcast_in_dim3A_263 = vector.broadcast %jit3A_262 : i32 to vector<16xi32>
          %select_n3A_264 = arith.select %and3A_261, %sub3A_255, %broadcast_in_dim3A_263 : vector<16xi1>, vector<16xi32>
          tpu.vector_store_idx %arg7[%select_n3A_264], %add3A_252 masked %and3A_261 : memref<3136xi32, #tpu.memory_space<vmem>>[vector<16xi32>], vector<16xi32>, vector<16xi1>
          %gather3A_265 = tpu.vector_load_idx %arg7[%select_n3A_264] masked %and3A_261 : memref<3136xi32, #tpu.memory_space<vmem>>[vector<16xi32>], vector<16xi32>, vector<16xi1>
          %while3A = scf.while (%while3A_266 = %gather3A_265) : (vector<16xi32>) -> vector<16xi32> {
            %lt3A_267 = arith.cmpi slt, %while3A_266, %add3A_252 : vector<16xi32>
            %and3A_268 = arith.andi %and3A_261, %lt3A_267 : vector<16xi1>
            %reduce_or3A = arith.constant 1.000000e+00 : f32
            %reduce_or3A_269 = arith.constant 0.000000e+00 : f32
            %reduce_or3A_270 = vector.broadcast %reduce_or3A : f32 to vector<16xf32>
            %reduce_or3A_271 = vector.broadcast %reduce_or3A_269 : f32 to vector<16xf32>
            %reduce_or3A_272 = arith.select %and3A_268, %reduce_or3A_270, %reduce_or3A_271 : vector<16xi1>, vector<16xf32>
            %reduce_or3A_273 = arith.constant true
            %reduce_or3A_274 = vector.broadcast %reduce_or3A_273 : i1 to vector<16xi1>
            %reduce_or3A_275 = tpu.scan <max>, %reduce_or3A_272 masked %reduce_or3A_274 : vector<16xf32>, vector<16xi1> -> vector<16xf32>
            %reduce_or3A_276 = vector.extract %reduce_or3A_275[15] : f32 from vector<16xf32>
            %reduce_or3A_277 = arith.constant 0.000000e+00 : f32
            %reduce_or3A_278 = arith.cmpf ogt, %reduce_or3A_276, %reduce_or3A_277 : f32
            scf.condition(%reduce_or3A_278) %while3A_266 : vector<16xi32>
          } do {
          ^bb0(%while3A_266: vector<16xi32>):
            %lt3A_267 = arith.cmpi slt, %while3A_266, %add3A_252 : vector<16xi32>
            %and3A_268 = arith.andi %and3A_261, %lt3A_267 : vector<16xi1>
            tpu.vector_store_idx %arg7[%select_n3A_264], %add3A_252 masked %and3A_268 : memref<3136xi32, #tpu.memory_space<vmem>>[vector<16xi32>], vector<16xi32>, vector<16xi1>
            %gather3A_269 = tpu.vector_load_idx %arg7[%select_n3A_264] masked %and3A_261 : memref<3136xi32, #tpu.memory_space<vmem>>[vector<16xi32>], vector<16xi32>, vector<16xi1>
            scf.yield %gather3A_269 : vector<16xi32>
          }
        } else {
        }
      }
      %scan3A_153 = arith.constant 20 : i32
      %mul3A_154 = arith.constant 120 : i32
      %mul3A_155 = arith.muli %scan3A_147, %mul3A_154 : i32
      %add3A_156 = arith.addi %mul3A_6, %mul3A_155 : i32
      %jit3A_157 = arith.constant 4 : i32
      %eq3A = arith.constant 0 : i32
      %eq3A_158 = arith.cmpi eq, %jit3A_157, %eq3A : i32
      %jit3A_159 = arith.constant 1 : i32
      %select_n3A_160 = arith.select %eq3A_158, %jit3A_159, %jit3A_157 : i32
      %rem3A_161 = arith.remsi %scan3A_147, %select_n3A_160 : i32
      %ne3A_162 = arith.constant 0 : i32
      %ne3A_163 = arith.cmpi ne, %rem3A_161, %ne3A_162 : i32
      %lt3A_164 = arith.constant 0 : i32
      %lt3A_165 = arith.cmpi slt, %rem3A_161, %lt3A_164 : i32
      %lt3A_166 = arith.constant 0 : i32
      %lt3A_167 = arith.cmpi slt, %select_n3A_160, %lt3A_166 : i32
      %ne3A_168 = arith.xori %lt3A_165, %lt3A_167 : i1
      %and3A_169 = arith.andi %ne3A_168, %ne3A_163 : i1
      %add3A_170 = arith.addi %rem3A_161, %select_n3A_160 : i32
      %select_n3A_171 = arith.select %and3A_169, %add3A_170, %rem3A_161 : i32
      %dma_wait3A_172 = arith.constant 0 : i32
      %dma_wait3A_173 = arith.constant 0 : i32
      %dma_wait3A_174 = tpu.memref_slice %arg10[%select_n3A_171, %dma_wait3A_172, %dma_wait3A_173] : memref<4x120x128xf32, #tpu.memory_space<vmem>> -> memref<1x120x128xf32, #tpu.memory_space<vmem>>
      %dma_wait3A_175 = tpu.memref_squeeze %dma_wait3A_174 : memref<1x120x128xf32, #tpu.memory_space<vmem>> -> memref<120x128xf32, #tpu.memory_space<vmem>>
      %dma_wait3A_176 = arith.constant 0 : i32
      %dma_wait3A_177 = tpu.memref_slice %arg2[%add3A_156, %dma_wait3A_176] : memref<100000x128xf32, #tpu.memory_space<hbm>> -> memref<120x128xf32, #tpu.memory_space<hbm>>
      %dma_wait3A_178 = arith.constant 0 : i32
      %dma_wait3A_179 = arith.constant 0 : i32
      %dma_wait3A_180 = tpu.memref_slice %arg10[%select_n3A_171, %dma_wait3A_178, %dma_wait3A_179] : memref<4x120x128xf32, #tpu.memory_space<vmem>> -> memref<1x120x128xf32, #tpu.memory_space<vmem>>
      %dma_wait3A_181 = tpu.memref_squeeze %dma_wait3A_180 : memref<1x120x128xf32, #tpu.memory_space<vmem>> -> memref<120x128xf32, #tpu.memory_space<vmem>>
      %dma_wait3A_182 = arith.constant 0 : i32
      %dma_wait3A_183 = tpu.memref_slice %arg2[%add3A_156, %dma_wait3A_182] : memref<100000x128xf32, #tpu.memory_space<hbm>> -> memref<120x128xf32, #tpu.memory_space<hbm>>
      tpu.wait_dma2 semaphore(%arg14 : memref<!tpu.dma_semaphore, #tpu.memory_space<semaphore_mem>>) src(%dma_wait3A_183 : memref<120x128xf32, #tpu.memory_space<hbm>>) dst(%dma_wait3A_181 : memref<120x128xf32, #tpu.memory_space<vmem>>)
      %jit3A_184 = arith.constant 4 : i32
      %eq3A_185 = arith.constant 0 : i32
      %eq3A_186 = arith.cmpi eq, %jit3A_184, %eq3A_185 : i32
      %jit3A_187 = arith.constant 1 : i32
      %select_n3A_188 = arith.select %eq3A_186, %jit3A_187, %jit3A_184 : i32
      %rem3A_189 = arith.remsi %scan3A_147, %select_n3A_188 : i32
      %ne3A_190 = arith.constant 0 : i32
      %ne3A_191 = arith.cmpi ne, %rem3A_189, %ne3A_190 : i32
      %lt3A_192 = arith.constant 0 : i32
      %lt3A_193 = arith.cmpi slt, %rem3A_189, %lt3A_192 : i32
      %lt3A_194 = arith.constant 0 : i32
      %lt3A_195 = arith.cmpi slt, %select_n3A_188, %lt3A_194 : i32
      %ne3A_196 = arith.xori %lt3A_193, %lt3A_195 : i1
      %and3A_197 = arith.andi %ne3A_196, %ne3A_191 : i1
      %add3A_198 = arith.addi %rem3A_189, %select_n3A_188 : i32
      %select_n3A_199 = arith.select %and3A_197, %add3A_198, %rem3A_189 : i32
      %mul3A_200 = arith.constant 120 : i32
      %mul3A_201 = arith.muli %scan3A_147, %mul3A_200 : i32
      %add3A_202 = arith.addi %mul3A_6, %mul3A_201 : i32
      %dma_start3A_203 = arith.constant 0 : i32
      %dma_start3A_204 = arith.constant 0 : i32
      %dma_start3A_205 = tpu.memref_slice %arg10[%select_n3A_199, %dma_start3A_203, %dma_start3A_204] : memref<4x120x128xf32, #tpu.memory_space<vmem>> -> memref<1x120x128xf32, #tpu.memory_space<vmem>>
      %dma_start3A_206 = tpu.memref_squeeze %dma_start3A_205 : memref<1x120x128xf32, #tpu.memory_space<vmem>> -> memref<120x128xf32, #tpu.memory_space<vmem>>
      %dma_start3A_207 = arith.constant 0 : i32
      %dma_start3A_208 = tpu.memref_slice %arg5[%add3A_202, %dma_start3A_207] : memref<100000x128xf32, #tpu.memory_space<hbm>> -> memref<120x128xf32, #tpu.memory_space<hbm>>
      %dma_start3A_209 = arith.constant 0 : i32
      %dma_start3A_210 = tpu.memref_slice %arg5[%add3A_202, %dma_start3A_209] : memref<100000x128xf32, #tpu.memory_space<hbm>> -> memref<120x128xf32, #tpu.memory_space<hbm>>
      %dma_start3A_211 = arith.constant 0 : i32
      %dma_start3A_212 = arith.constant 0 : i32
      %dma_start3A_213 = tpu.memref_slice %arg10[%select_n3A_199, %dma_start3A_211, %dma_start3A_212] : memref<4x120x128xf32, #tpu.memory_space<vmem>> -> memref<1x120x128xf32, #tpu.memory_space<vmem>>
      %dma_start3A_214 = tpu.memref_squeeze %dma_start3A_213 : memref<1x120x128xf32, #tpu.memory_space<vmem>> -> memref<120x128xf32, #tpu.memory_space<vmem>>
      tpu.enqueue_dma source(%dma_start3A_214 : memref<120x128xf32, #tpu.memory_space<vmem>>) target(%dma_start3A_210 : memref<120x128xf32, #tpu.memory_space<hbm>>) target_semaphore(%arg15 : memref<!tpu.dma_semaphore, #tpu.memory_space<semaphore_mem>>)
      %ge3A_215 = arith.constant 1 : i32
      %ge3A_216 = arith.cmpi sge, %scan3A_147, %ge3A_215 : i32
      %convert_element_type3A_217 = arith.extui %ge3A_216 : i1 to i32
      %cond3A_218 = arith.constant 0 : i32
      %cond3A_219 = arith.cmpi ne, %convert_element_type3A_217, %cond3A_218 : i32
      scf.if %cond3A_219 {
        %sub3A_227 = arith.constant 1 : i32
        %sub3A_228 = arith.subi %scan3A_147, %sub3A_227 : i32
        %jit3A_229 = arith.constant 4 : i32
        %eq3A_230 = arith.constant 0 : i32
        %eq3A_231 = arith.cmpi eq, %jit3A_229, %eq3A_230 : i32
        %jit3A_232 = arith.constant 1 : i32
        %select_n3A_233 = arith.select %eq3A_231, %jit3A_232, %jit3A_229 : i32
        %rem3A_234 = arith.remsi %sub3A_228, %select_n3A_233 : i32
        %ne3A_235 = arith.constant 0 : i32
        %ne3A_236 = arith.cmpi ne, %rem3A_234, %ne3A_235 : i32
        %lt3A_237 = arith.constant 0 : i32
        %lt3A_238 = arith.cmpi slt, %rem3A_234, %lt3A_237 : i32
        %lt3A_239 = arith.constant 0 : i32
        %lt3A_240 = arith.cmpi slt, %select_n3A_233, %lt3A_239 : i32
        %ne3A_241 = arith.xori %lt3A_238, %lt3A_240 : i1
        %and3A_242 = arith.andi %ne3A_241, %ne3A_236 : i1
        %add3A_243 = arith.addi %rem3A_234, %select_n3A_233 : i32
        %select_n3A_244 = arith.select %and3A_242, %add3A_243, %rem3A_234 : i32
        %mul3A_245 = arith.constant 120 : i32
        %mul3A_246 = arith.muli %sub3A_228, %mul3A_245 : i32
        %add3A_247 = arith.addi %mul3A_6, %mul3A_246 : i32
        %dma_wait3A_248 = arith.constant 0 : i32
        %dma_wait3A_249 = arith.constant 0 : i32
        %dma_wait3A_250 = tpu.memref_slice %arg10[%select_n3A_244, %dma_wait3A_248, %dma_wait3A_249] : memref<4x120x128xf32, #tpu.memory_space<vmem>> -> memref<1x120x128xf32, #tpu.memory_space<vmem>>
        %dma_wait3A_251 = tpu.memref_squeeze %dma_wait3A_250 : memref<1x120x128xf32, #tpu.memory_space<vmem>> -> memref<120x128xf32, #tpu.memory_space<vmem>>
        %dma_wait3A_252 = arith.constant 0 : i32
        %dma_wait3A_253 = tpu.memref_slice %arg5[%add3A_247, %dma_wait3A_252] : memref<100000x128xf32, #tpu.memory_space<hbm>> -> memref<120x128xf32, #tpu.memory_space<hbm>>
        %dma_wait3A_254 = arith.constant 0 : i32
        %dma_wait3A_255 = tpu.memref_slice %arg5[%add3A_247, %dma_wait3A_254] : memref<100000x128xf32, #tpu.memory_space<hbm>> -> memref<120x128xf32, #tpu.memory_space<hbm>>
        %dma_wait3A_256 = arith.constant 0 : i32
        %dma_wait3A_257 = arith.constant 0 : i32
        %dma_wait3A_258 = tpu.memref_slice %arg10[%select_n3A_244, %dma_wait3A_256, %dma_wait3A_257] : memref<4x120x128xf32, #tpu.memory_space<vmem>> -> memref<1x120x128xf32, #tpu.memory_space<vmem>>
        %dma_wait3A_259 = tpu.memref_squeeze %dma_wait3A_258 : memref<1x120x128xf32, #tpu.memory_space<vmem>> -> memref<120x128xf32, #tpu.memory_space<vmem>>
        tpu.wait_dma2 semaphore(%arg15 : memref<!tpu.dma_semaphore, #tpu.memory_space<semaphore_mem>>) src(%dma_wait3A_259 : memref<120x128xf32, #tpu.memory_space<vmem>>) dst(%dma_wait3A_255 : memref<120x128xf32, #tpu.memory_space<hbm>>)
      } else {
      }
      %add3A_220 = arith.constant 3 : i32
      %add3A_221 = arith.addi %scan3A_147, %add3A_220 : i32
      %lt3A_222 = arith.constant 26 : i32
      %lt3A_223 = arith.cmpi slt, %add3A_221, %lt3A_222 : i32
      %convert_element_type3A_224 = arith.extui %lt3A_223 : i1 to i32
      %cond3A_225 = arith.constant 0 : i32
      %cond3A_226 = arith.cmpi ne, %convert_element_type3A_224, %cond3A_225 : i32
      scf.if %cond3A_226 {
        %add3A_227 = arith.constant 3 : i32
        %add3A_228 = arith.addi %scan3A_147, %add3A_227 : i32
        %mul3A_229 = arith.constant 120 : i32
        %mul3A_230 = arith.muli %add3A_228, %mul3A_229 : i32
        %add3A_231 = arith.addi %mul3A_6, %mul3A_230 : i32
        %jit3A_232 = arith.constant 4 : i32
        %eq3A_233 = arith.constant 0 : i32
        %eq3A_234 = arith.cmpi eq, %jit3A_232, %eq3A_233 : i32
        %jit3A_235 = arith.constant 1 : i32
        %select_n3A_236 = arith.select %eq3A_234, %jit3A_235, %jit3A_232 : i32
        %rem3A_237 = arith.remsi %add3A_228, %select_n3A_236 : i32
        %ne3A_238 = arith.constant 0 : i32
        %ne3A_239 = arith.cmpi ne, %rem3A_237, %ne3A_238 : i32
        %lt3A_240 = arith.constant 0 : i32
        %lt3A_241 = arith.cmpi slt, %rem3A_237, %lt3A_240 : i32
        %lt3A_242 = arith.constant 0 : i32
        %lt3A_243 = arith.cmpi slt, %select_n3A_236, %lt3A_242 : i32
        %ne3A_244 = arith.xori %lt3A_241, %lt3A_243 : i1
        %and3A_245 = arith.andi %ne3A_244, %ne3A_239 : i1
        %add3A_246 = arith.addi %rem3A_237, %select_n3A_236 : i32
        %select_n3A_247 = arith.select %and3A_245, %add3A_246, %rem3A_237 : i32
        %dma_start3A_248 = arith.constant 0 : i32
        %dma_start3A_249 = arith.constant 0 : i32
        %dma_start3A_250 = tpu.memref_slice %arg10[%select_n3A_247, %dma_start3A_248, %dma_start3A_249] : memref<4x120x128xf32, #tpu.memory_space<vmem>> -> memref<1x120x128xf32, #tpu.memory_space<vmem>>
        %dma_start3A_251 = tpu.memref_squeeze %dma_start3A_250 : memref<1x120x128xf32, #tpu.memory_space<vmem>> -> memref<120x128xf32, #tpu.memory_space<vmem>>
        %dma_start3A_252 = arith.constant 0 : i32
        %dma_start3A_253 = tpu.memref_slice %arg2[%add3A_231, %dma_start3A_252] : memref<100000x128xf32, #tpu.memory_space<hbm>> -> memref<120x128xf32, #tpu.memory_space<hbm>>
        %dma_start3A_254 = arith.constant 0 : i32
        %dma_start3A_255 = arith.constant 0 : i32
        %dma_start3A_256 = tpu.memref_slice %arg10[%select_n3A_247, %dma_start3A_254, %dma_start3A_255] : memref<4x120x128xf32, #tpu.memory_space<vmem>> -> memref<1x120x128xf32, #tpu.memory_space<vmem>>
        %dma_start3A_257 = tpu.memref_squeeze %dma_start3A_256 : memref<1x120x128xf32, #tpu.memory_space<vmem>> -> memref<120x128xf32, #tpu.memory_space<vmem>>
        %dma_start3A_258 = arith.constant 0 : i32
        %dma_start3A_259 = tpu.memref_slice %arg2[%add3A_231, %dma_start3A_258] : memref<100000x128xf32, #tpu.memory_space<hbm>> -> memref<120x128xf32, #tpu.memory_space<hbm>>
        tpu.enqueue_dma source(%dma_start3A_259 : memref<120x128xf32, #tpu.memory_space<hbm>>) target(%dma_start3A_257 : memref<120x128xf32, #tpu.memory_space<vmem>>) target_semaphore(%arg14 : memref<!tpu.dma_semaphore, #tpu.memory_space<semaphore_mem>>)
      } else {
      }
    }
    %scan3A_68 = arith.constant 26 : i32
    %add3A_69 = arith.constant 0 : i32
    %add3A_70 = arith.addi %mul3A_6, %add3A_69 : i32
    %dma_wait3A = arith.constant 0 : i32
    %dma_wait3A_71 = arith.constant 0 : i32
    %dma_wait3A_72 = arith.constant 0 : i32
    %dma_wait3A_73 = tpu.memref_slice %arg10[%dma_wait3A, %dma_wait3A_71, %dma_wait3A_72] : memref<4x120x128xf32, #tpu.memory_space<vmem>> -> memref<1x120x128xf32, #tpu.memory_space<vmem>>
    %dma_wait3A_74 = tpu.memref_squeeze %dma_wait3A_73 : memref<1x120x128xf32, #tpu.memory_space<vmem>> -> memref<120x128xf32, #tpu.memory_space<vmem>>
    %dma_wait3A_75 = arith.constant 0 : i32
    %dma_wait3A_76 = tpu.memref_slice %arg5[%add3A_70, %dma_wait3A_75] : memref<100000x128xf32, #tpu.memory_space<hbm>> -> memref<120x128xf32, #tpu.memory_space<hbm>>
    %dma_wait3A_77 = arith.constant 0 : i32
    %dma_wait3A_78 = tpu.memref_slice %arg5[%add3A_70, %dma_wait3A_77] : memref<100000x128xf32, #tpu.memory_space<hbm>> -> memref<120x128xf32, #tpu.memory_space<hbm>>
    %dma_wait3A_79 = arith.constant 0 : i32
    %dma_wait3A_80 = arith.constant 0 : i32
    %dma_wait3A_81 = tpu.memref_slice %arg10[%dma_wait3A, %dma_wait3A_79, %dma_wait3A_80] : memref<4x120x128xf32, #tpu.memory_space<vmem>> -> memref<1x120x128xf32, #tpu.memory_space<vmem>>
    %dma_wait3A_82 = tpu.memref_squeeze %dma_wait3A_81 : memref<1x120x128xf32, #tpu.memory_space<vmem>> -> memref<120x128xf32, #tpu.memory_space<vmem>>
    tpu.wait_dma2 semaphore(%arg15 : memref<!tpu.dma_semaphore, #tpu.memory_space<semaphore_mem>>) src(%dma_wait3A_82 : memref<120x128xf32, #tpu.memory_space<vmem>>) dst(%dma_wait3A_78 : memref<120x128xf32, #tpu.memory_space<hbm>>)
    %gt3A = arith.constant 3120 : i32
    %gt3A_83 = arith.cmpi sgt, %mul3A_12, %gt3A : i32
    %convert_element_type3A = arith.extui %gt3A_83 : i1 to i32
    %cond3A = arith.constant 0 : i32
    %cond3A_84 = arith.cmpi ne, %convert_element_type3A, %cond3A : i32
    scf.if %cond3A_84 {
      %add3A_147 = arith.constant 3120 : i32
      %add3A_148 = arith.addi %mul3A_6, %add3A_147 : i32
      %dma_start3A_149 = arith.constant 0 : i32
      %dma_start3A_150 = tpu.memref_slice %arg2[%add3A_148, %dma_start3A_149] : memref<100000x128xf32, #tpu.memory_space<hbm>> -> memref<8x128xf32, #tpu.memory_space<hbm>>
      %dma_start3A_151 = arith.constant 0 : i32
      %dma_start3A_152 = tpu.memref_slice %arg2[%add3A_148, %dma_start3A_151] : memref<100000x128xf32, #tpu.memory_space<hbm>> -> memref<8x128xf32, #tpu.memory_space<hbm>>
      tpu.enqueue_dma source(%dma_start3A_152 : memref<8x128xf32, #tpu.memory_space<hbm>>) target(%arg11 : memref<8x128xf32, #tpu.memory_space<vmem>>) target_semaphore(%arg14 : memref<!tpu.dma_semaphore, #tpu.memory_space<semaphore_mem>>)
      %dma_wait3A_153 = arith.constant 0 : i32
      %dma_wait3A_154 = tpu.memref_slice %arg2[%add3A_148, %dma_wait3A_153] : memref<100000x128xf32, #tpu.memory_space<hbm>> -> memref<8x128xf32, #tpu.memory_space<hbm>>
      %dma_wait3A_155 = arith.constant 0 : i32
      %dma_wait3A_156 = tpu.memref_slice %arg2[%add3A_148, %dma_wait3A_155] : memref<100000x128xf32, #tpu.memory_space<hbm>> -> memref<8x128xf32, #tpu.memory_space<hbm>>
      tpu.wait_dma2 semaphore(%arg14 : memref<!tpu.dma_semaphore, #tpu.memory_space<semaphore_mem>>) src(%dma_wait3A_156 : memref<8x128xf32, #tpu.memory_space<hbm>>) dst(%arg11 : memref<8x128xf32, #tpu.memory_space<vmem>>)
      %dma_start3A_157 = arith.constant 0 : i32
      %dma_start3A_158 = tpu.memref_slice %arg5[%add3A_148, %dma_start3A_157] : memref<100000x128xf32, #tpu.memory_space<hbm>> -> memref<8x128xf32, #tpu.memory_space<hbm>>
      %dma_start3A_159 = arith.constant 0 : i32
      %dma_start3A_160 = tpu.memref_slice %arg5[%add3A_148, %dma_start3A_159] : memref<100000x128xf32, #tpu.memory_space<hbm>> -> memref<8x128xf32, #tpu.memory_space<hbm>>
      tpu.enqueue_dma source(%arg11 : memref<8x128xf32, #tpu.memory_space<vmem>>) target(%dma_start3A_160 : memref<8x128xf32, #tpu.memory_space<hbm>>) target_semaphore(%arg15 : memref<!tpu.dma_semaphore, #tpu.memory_space<semaphore_mem>>)
      %dma_wait3A_161 = arith.constant 0 : i32
      %dma_wait3A_162 = tpu.memref_slice %arg5[%add3A_148, %dma_wait3A_161] : memref<100000x128xf32, #tpu.memory_space<hbm>> -> memref<8x128xf32, #tpu.memory_space<hbm>>
      %dma_wait3A_163 = arith.constant 0 : i32
      %dma_wait3A_164 = tpu.memref_slice %arg5[%add3A_148, %dma_wait3A_163] : memref<100000x128xf32, #tpu.memory_space<hbm>> -> memref<8x128xf32, #tpu.memory_space<hbm>>
      tpu.wait_dma2 semaphore(%arg15 : memref<!tpu.dma_semaphore, #tpu.memory_space<semaphore_mem>>) src(%arg11 : memref<8x128xf32, #tpu.memory_space<vmem>>) dst(%dma_wait3A_164 : memref<8x128xf32, #tpu.memory_space<hbm>>)
    } else {
    }
    %scan3A_85 = arith.constant 0 : i32
    %scan3A_86 = arith.constant -1 : i32
    %scan3A_87 = arith.constant 0 : i32
    %scan3A_88 = arith.constant 196 : i32
    %scan3A_89 = arith.addi %scan3A_87, %scan3A_88 : i32
    %scan3A_90 = arith.constant 1 : i32
    %scan3A_91:2 = scf.for %scan3A_147 = %scan3A_87 to %scan3A_89 step %scan3A_90 iter_args(%scan3A_148 = %scan3A_85, %scan3A_149 = %scan3A_86) -> (i32, i32)  : i32 {
      %mul3A_150 = arith.constant 16 : i32
      %mul3A_151 = arith.muli %scan3A_147, %mul3A_150 : i32
      %add3A_152 = vector.broadcast %mul3A_151 : i32 to vector<16xi32>
      %add3A_153 = arith.addi %iota3A, %add3A_152 : vector<16xi32>
      %mul3A_154 = arith.constant 16 : i32
      %mul3A_155 = arith.muli %scan3A_147, %mul3A_154 : i32
      %get3A = arith.index_cast %mul3A_155 : i32 to index
      %get3A_156 = tpu.vector_load %arg7[%get3A] {strides = array<i32>} : memref<3136xi32, #tpu.memory_space<vmem>>, vector<16xi32>,
      %ge3A_157 = arith.constant 0 : i32
      %ge3A_158 = vector.broadcast %ge3A_157 : i32 to vector<16xi32>
      %ge3A_159 = arith.cmpi sge, %get3A_156, %ge3A_158 : vector<16xi32>
      %add3A_160 = vector.broadcast %mul3A_6 : i32 to vector<16xi32>
      %add3A_161 = arith.addi %add3A_153, %add3A_160 : vector<16xi32>
      %swap3A_162 = arith.index_cast %scan3A_148 : i32 to index
      %swap3A_163 = tpu.vector_load %arg8[%swap3A_162] masked %ge3A_159 {strides = array<i32>} : memref<3168xi32, #tpu.memory_space<vmem>>, vector<16xi32>, vector<16xi1>
      tpu.vector_store %arg8[%swap3A_162], %add3A_161 masked %ge3A_159 {strides = array<i32>} : memref<3168xi32, #tpu.memory_space<vmem>>, vector<16xi32>, vector<16xi1>
      %swap3A_164 = arith.index_cast %scan3A_148 : i32 to index
      %swap3A_165 = tpu.vector_load %arg9[%swap3A_164] masked %ge3A_159 {strides = array<i32>} : memref<3168xi32, #tpu.memory_space<vmem>>, vector<16xi32>, vector<16xi1>
      tpu.vector_store %arg9[%swap3A_164], %get3A_156 masked %ge3A_159 {strides = array<i32>} : memref<3168xi32, #tpu.memory_space<vmem>>, vector<16xi32>, vector<16xi1>
      %convert_element_type3A_166 = arith.extui %ge3A_159 : vector<16xi1> to vector<16xi32>
      %reduce_sum3A = arith.constant true
      %reduce_sum3A_167 = vector.broadcast %reduce_sum3A : i1 to vector<16xi1>
      %reduce_sum3A_168 = tpu.scan <sum>, %convert_element_type3A_166 masked %reduce_sum3A_167 : vector<16xi32>, vector<16xi1> -> vector<16xi32>
      %reduce_sum3A_169 = vector.extract %reduce_sum3A_168[15] : i32 from vector<16xi32>
      %jit3A_170 = arith.constant -1 : i32
      %broadcast_in_dim3A_171 = vector.broadcast %jit3A_170 : i32 to vector<16xi32>
      %select_n3A_172 = arith.select %ge3A_159, %add3A_153, %broadcast_in_dim3A_171 : vector<16xi1>, vector<16xi32>
      %reduce_max3A = arith.constant true
      %reduce_max3A_173 = vector.broadcast %reduce_max3A : i1 to vector<16xi1>
      %reduce_max3A_174 = arith.constant -2147483648 : i32
      %reduce_max3A_175 = vector.broadcast %reduce_max3A_174 : i32 to vector<16xi32>
      %reduce_max3A_176 = arith.xori %select_n3A_172, %reduce_max3A_175 : vector<16xi32>
      %reduce_max3A_177 = tpu.scan <max>, %reduce_max3A_176 masked %reduce_max3A_173 : vector<16xi32>, vector<16xi1> -> vector<16xi32>
      %reduce_max3A_178 = arith.xori %reduce_max3A_177, %reduce_max3A_175 : vector<16xi32>
      %reduce_max3A_179 = vector.extract %reduce_max3A_178[15] : i32 from vector<16xi32>
      %max3A_180 = arith.maxsi %scan3A_149, %reduce_max3A_179 : i32
      %add3A_181 = arith.addi %scan3A_148, %reduce_sum3A_169 : i32
      scf.yield %add3A_181, %max3A_180 : i32, i32
    }
    %scan3A_92 = arith.constant 196 : i32
    %max3A = arith.constant 0 : i32
    %max3A_93 = arith.maxsi %scan3A_91#1, %max3A : i32
    %broadcast_in_dim3A_94 = vector.broadcast %max3A_93 : i32 to vector<16xi32>
    %gather3A = tpu.vector_load_idx %arg7[%broadcast_in_dim3A_94] : memref<3136xi32, #tpu.memory_space<vmem>>[vector<16xi32>], vector<16xi32>,
    %add3A_95 = vector.broadcast %mul3A_6 : i32 to vector<16xi32>
    %add3A_96 = arith.addi %broadcast_in_dim3A_94, %add3A_95 : vector<16xi32>
    %swap3A = arith.index_cast %scan3A_91#0 : i32 to index
    %swap3A_97 = tpu.vector_load %arg8[%swap3A] {strides = array<i32>} : memref<3168xi32, #tpu.memory_space<vmem>>, vector<16xi32>,
    tpu.vector_store %arg8[%swap3A], %add3A_96 {strides = array<i32>} : memref<3168xi32, #tpu.memory_space<vmem>>, vector<16xi32>,
    %swap3A_98 = arith.index_cast %scan3A_91#0 : i32 to index
    %swap3A_99 = tpu.vector_load %arg9[%swap3A_98] {strides = array<i32>} : memref<3168xi32, #tpu.memory_space<vmem>>, vector<16xi32>,
    tpu.vector_store %arg9[%swap3A_98], %gather3A {strides = array<i32>} : memref<3168xi32, #tpu.memory_space<vmem>>, vector<16xi32>,
    %add3A_100 = arith.constant 16 : i32
    %add3A_101 = arith.addi %scan3A_91#0, %add3A_100 : i32
    %sub3A = arith.constant 1 : i32
    %sub3A_102 = arith.subi %add3A_101, %sub3A : i32
    %jit3A_103 = arith.constant 16 : i32
    %div3A = arith.divsi %sub3A_102, %jit3A_103 : i32
    %sign3A = arith.constant 0 : i32
    %sign3A_104 = arith.cmpi sgt, %sub3A_102, %sign3A : i32
    %sign3A_105 = arith.extui %sign3A_104 : i1 to i32
    %sign3A_106 = arith.constant 0 : i32
    %sign3A_107 = arith.cmpi slt, %sub3A_102, %sign3A_106 : i32
    %sign3A_108 = arith.extui %sign3A_107 : i1 to i32
    %sign3A_109 = arith.subi %sign3A_105, %sign3A_108 : i32
    %sign3A_110 = arith.constant 0 : i32
    %sign3A_111 = arith.cmpi sgt, %jit3A_103, %sign3A_110 : i32
    %sign3A_112 = arith.extui %sign3A_111 : i1 to i32
    %sign3A_113 = arith.constant 0 : i32
    %sign3A_114 = arith.cmpi slt, %jit3A_103, %sign3A_113 : i32
    %sign3A_115 = arith.extui %sign3A_114 : i1 to i32
    %sign3A_116 = arith.subi %sign3A_112, %sign3A_115 : i32
    %ne3A = arith.cmpi ne, %sign3A_109, %sign3A_116 : i32
    %rem3A = arith.remsi %sub3A_102, %jit3A_103 : i32
    %ne3A_117 = arith.constant 0 : i32
    %ne3A_118 = arith.cmpi ne, %rem3A, %ne3A_117 : i32
    %and3A = arith.andi %ne3A, %ne3A_118 : i1
    %sub3A_119 = arith.constant 1 : i32
    %sub3A_120 = arith.subi %div3A, %sub3A_119 : i32
    %select_n3A_121 = arith.select %and3A, %sub3A_120, %div3A : i32
    %gt3A_122 = arith.constant 0 : i32
    %gt3A_123 = arith.cmpi sgt, %select_n3A_121, %gt3A_122 : i32
    %convert_element_type3A_124 = arith.extui %gt3A_123 : i1 to i32
    %cond3A_125 = arith.constant 0 : i32
    %cond3A_126 = arith.cmpi ne, %convert_element_type3A_124, %cond3A_125 : i32
    scf.if %cond3A_126 {
      %get3A = arith.constant 0 : index
      %get3A_147 = tpu.vector_load %arg9[%get3A] {strides = array<i32>} : memref<3168xi32, #tpu.memory_space<vmem>>, vector<16xi32>,
      %dma_start3A_148 = arith.constant 0 : i32
      %dma_start3A_149 = arith.constant 0 : i32
      %dma_start3A_150 = arith.constant 0 : i32
      %dma_start3A_151 = tpu.memref_slice %arg12[%dma_start3A_148, %dma_start3A_149, %dma_start3A_150] : memref<4x16x128xf32, #tpu.memory_space<vmem>> -> memref<1x16x128xf32, #tpu.memory_space<vmem>>
      %dma_start3A_152 = tpu.memref_squeeze %dma_start3A_151 : memref<1x16x128xf32, #tpu.memory_space<vmem>> -> memref<16x128xf32, #tpu.memory_space<vmem>>
      %dma_start3A_153 = arith.constant 0 : i32
      %dma_start3A_154 = arith.constant 0 : i32
      %dma_start3A_155 = tpu.memref_slice %arg4[%dma_start3A_153, %dma_start3A_154] : memref<16384x128xf32, #tpu.memory_space<hbm>> -> memref<16384x128xf32, #tpu.memory_space<hbm>>
      tpu.enqueue_indirect_dma source(%dma_start3A_155 : memref<16384x128xf32, #tpu.memory_space<hbm>>) target(%dma_start3A_152 : memref<16x128xf32, #tpu.memory_space<vmem>>) offsets(%get3A_147 : vector<16xi32>) semaphore(%arg16 : memref<!tpu.dma_semaphore, #tpu.memory_space<semaphore_mem>>)
    } else {
    }
    %gt3A_127 = arith.constant 1 : i32
    %gt3A_128 = arith.cmpi sgt, %select_n3A_121, %gt3A_127 : i32
    %convert_element_type3A_129 = arith.extui %gt3A_128 : i1 to i32
    %cond3A_130 = arith.constant 0 : i32
    %cond3A_131 = arith.cmpi ne, %convert_element_type3A_129, %cond3A_130 : i32
    scf.if %cond3A_131 {
      %get3A = arith.constant 16 : index
      %get3A_147 = tpu.vector_load %arg9[%get3A] {strides = array<i32>} : memref<3168xi32, #tpu.memory_space<vmem>>, vector<16xi32>,
      %dma_start3A_148 = arith.constant 1 : i32
      %dma_start3A_149 = arith.constant 0 : i32
      %dma_start3A_150 = arith.constant 0 : i32
      %dma_start3A_151 = tpu.memref_slice %arg12[%dma_start3A_148, %dma_start3A_149, %dma_start3A_150] : memref<4x16x128xf32, #tpu.memory_space<vmem>> -> memref<1x16x128xf32, #tpu.memory_space<vmem>>
      %dma_start3A_152 = tpu.memref_squeeze %dma_start3A_151 : memref<1x16x128xf32, #tpu.memory_space<vmem>> -> memref<16x128xf32, #tpu.memory_space<vmem>>
      %dma_start3A_153 = arith.constant 0 : i32
      %dma_start3A_154 = arith.constant 0 : i32
      %dma_start3A_155 = tpu.memref_slice %arg4[%dma_start3A_153, %dma_start3A_154] : memref<16384x128xf32, #tpu.memory_space<hbm>> -> memref<16384x128xf32, #tpu.memory_space<hbm>>
      tpu.enqueue_indirect_dma source(%dma_start3A_155 : memref<16384x128xf32, #tpu.memory_space<hbm>>) target(%dma_start3A_152 : memref<16x128xf32, #tpu.memory_space<vmem>>) offsets(%get3A_147 : vector<16xi32>) semaphore(%arg16 : memref<!tpu.dma_semaphore, #tpu.memory_space<semaphore_mem>>)
    } else {
    }
    %scan3A_132 = arith.constant 0 : i32
    %scan3A_133 = arith.constant 0 : i32
    %scan3A_134 = arith.constant 198 : i32
    %scan3A_135 = arith.addi %scan3A_133, %scan3A_134 : i32
    %scan3A_136 = arith.constant 1 : i32
    scf.for %scan3A_147 = %scan3A_133 to %scan3A_135 step %scan3A_136  : i32 {
      %lt3A_148 = arith.cmpi slt, %scan3A_147, %select_n3A_121 : i32
      %convert_element_type3A_149 = arith.extui %lt3A_148 : i1 to i32
      %cond3A_150 = arith.constant 0 : i32
      %cond3A_151 = arith.cmpi ne, %convert_element_type3A_149, %cond3A_150 : i32
      scf.if %cond3A_151 {
        %ge3A_152 = arith.constant 2 : i32
        %ge3A_153 = arith.cmpi sge, %scan3A_147, %ge3A_152 : i32
        %convert_element_type3A_154 = arith.extui %ge3A_153 : i1 to i32
        %cond3A_155 = arith.constant 0 : i32
        %cond3A_156 = arith.cmpi ne, %convert_element_type3A_154, %cond3A_155 : i32
        scf.if %cond3A_156 {
          %sub3A_215 = arith.constant 2 : i32
          %sub3A_216 = arith.subi %scan3A_147, %sub3A_215 : i32
          %mul3A_217 = arith.constant 16 : i32
          %mul3A_218 = arith.muli %sub3A_216, %mul3A_217 : i32
          %get3A_219 = arith.index_cast %mul3A_218 : i32 to index
          %get3A_220 = tpu.vector_load %arg8[%get3A_219] {strides = array<i32>} : memref<3168xi32, #tpu.memory_space<vmem>>, vector<16xi32>,
          %jit3A_221 = arith.constant 4 : i32
          %eq3A_222 = arith.constant 0 : i32
          %eq3A_223 = arith.cmpi eq, %jit3A_221, %eq3A_222 : i32
          %jit3A_224 = arith.constant 1 : i32
          %select_n3A_225 = arith.select %eq3A_223, %jit3A_224, %jit3A_221 : i32
          %rem3A_226 = arith.remsi %sub3A_216, %select_n3A_225 : i32
          %ne3A_227 = arith.constant 0 : i32
          %ne3A_228 = arith.cmpi ne, %rem3A_226, %ne3A_227 : i32
          %lt3A_229 = arith.constant 0 : i32
          %lt3A_230 = arith.cmpi slt, %rem3A_226, %lt3A_229 : i32
          %lt3A_231 = arith.constant 0 : i32
          %lt3A_232 = arith.cmpi slt, %select_n3A_225, %lt3A_231 : i32
          %ne3A_233 = arith.xori %lt3A_230, %lt3A_232 : i1
          %and3A_234 = arith.andi %ne3A_233, %ne3A_228 : i1
          %add3A_235 = arith.addi %rem3A_226, %select_n3A_225 : i32
          %select_n3A_236 = arith.select %and3A_234, %add3A_235, %rem3A_226 : i32
          %dma_wait3A_237 = arith.constant 0 : i32
          %dma_wait3A_238 = arith.constant 0 : i32
          %dma_wait3A_239 = tpu.memref_slice %arg12[%select_n3A_236, %dma_wait3A_237, %dma_wait3A_238] : memref<4x16x128xf32, #tpu.memory_space<vmem>> -> memref<1x16x128xf32, #tpu.memory_space<vmem>>
          %dma_wait3A_240 = tpu.memref_squeeze %dma_wait3A_239 : memref<1x16x128xf32, #tpu.memory_space<vmem>> -> memref<16x128xf32, #tpu.memory_space<vmem>>
          %dma_wait3A_241 = arith.constant 0 : i32
          %dma_wait3A_242 = arith.constant 0 : i32
          %dma_wait3A_243 = tpu.memref_slice %arg5[%dma_wait3A_241, %dma_wait3A_242] : memref<100000x128xf32, #tpu.memory_space<hbm>> -> memref<100000x128xf32, #tpu.memory_space<hbm>>
          tpu.wait_indirect_dma semaphore(%arg17 : memref<!tpu.dma_semaphore, #tpu.memory_space<semaphore_mem>>) src(%dma_wait3A_240 : memref<16x128xf32, #tpu.memory_space<vmem>>) dst(%dma_wait3A_243 : memref<100000x128xf32, #tpu.memory_space<hbm>>)
        } else {
        }
        %add3A_157 = arith.constant 2 : i32
        %add3A_158 = arith.addi %scan3A_147, %add3A_157 : i32
        %lt3A_159 = arith.cmpi slt, %add3A_158, %select_n3A_121 : i32
        %convert_element_type3A_160 = arith.extui %lt3A_159 : i1 to i32
        %cond3A_161 = arith.constant 0 : i32
        %cond3A_162 = arith.cmpi ne, %convert_element_type3A_160, %cond3A_161 : i32
        scf.if %cond3A_162 {
          %add3A_215 = arith.constant 2 : i32
          %add3A_216 = arith.addi %scan3A_147, %add3A_215 : i32
          %mul3A_217 = arith.constant 16 : i32
          %mul3A_218 = arith.muli %add3A_216, %mul3A_217 : i32
          %get3A_219 = arith.index_cast %mul3A_218 : i32 to index
          %get3A_220 = tpu.vector_load %arg9[%get3A_219] {strides = array<i32>} : memref<3168xi32, #tpu.memory_space<vmem>>, vector<16xi32>,
          %jit3A_221 = arith.constant 4 : i32
          %eq3A_222 = arith.constant 0 : i32
          %eq3A_223 = arith.cmpi eq, %jit3A_221, %eq3A_222 : i32
          %jit3A_224 = arith.constant 1 : i32
          %select_n3A_225 = arith.select %eq3A_223, %jit3A_224, %jit3A_221 : i32
          %rem3A_226 = arith.remsi %add3A_216, %select_n3A_225 : i32
          %ne3A_227 = arith.constant 0 : i32
          %ne3A_228 = arith.cmpi ne, %rem3A_226, %ne3A_227 : i32
          %lt3A_229 = arith.constant 0 : i32
          %lt3A_230 = arith.cmpi slt, %rem3A_226, %lt3A_229 : i32
          %lt3A_231 = arith.constant 0 : i32
          %lt3A_232 = arith.cmpi slt, %select_n3A_225, %lt3A_231 : i32
          %ne3A_233 = arith.xori %lt3A_230, %lt3A_232 : i1
          %and3A_234 = arith.andi %ne3A_233, %ne3A_228 : i1
          %add3A_235 = arith.addi %rem3A_226, %select_n3A_225 : i32
          %select_n3A_236 = arith.select %and3A_234, %add3A_235, %rem3A_226 : i32
          %dma_start3A_237 = arith.constant 0 : i32
          %dma_start3A_238 = arith.constant 0 : i32
          %dma_start3A_239 = tpu.memref_slice %arg12[%select_n3A_236, %dma_start3A_237, %dma_start3A_238] : memref<4x16x128xf32, #tpu.memory_space<vmem>> -> memref<1x16x128xf32, #tpu.memory_space<vmem>>
          %dma_start3A_240 = tpu.memref_squeeze %dma_start3A_239 : memref<1x16x128xf32, #tpu.memory_space<vmem>> -> memref<16x128xf32, #tpu.memory_space<vmem>>
          %dma_start3A_241 = arith.constant 0 : i32
          %dma_start3A_242 = arith.constant 0 : i32
          %dma_start3A_243 = tpu.memref_slice %arg4[%dma_start3A_241, %dma_start3A_242] : memref<16384x128xf32, #tpu.memory_space<hbm>> -> memref<16384x128xf32, #tpu.memory_space<hbm>>
          tpu.enqueue_indirect_dma source(%dma_start3A_243 : memref<16384x128xf32, #tpu.memory_space<hbm>>) target(%dma_start3A_240 : memref<16x128xf32, #tpu.memory_space<vmem>>) offsets(%get3A_220 : vector<16xi32>) semaphore(%arg16 : memref<!tpu.dma_semaphore, #tpu.memory_space<semaphore_mem>>)
        } else {
        }
        %mul3A_163 = arith.constant 16 : i32
        %mul3A_164 = arith.muli %scan3A_147, %mul3A_163 : i32
        %get3A = arith.index_cast %mul3A_164 : i32 to index
        %get3A_165 = tpu.vector_load %arg9[%get3A] {strides = array<i32>} : memref<3168xi32, #tpu.memory_space<vmem>>, vector<16xi32>,
        %jit3A_166 = arith.constant 4 : i32
        %eq3A = arith.constant 0 : i32
        %eq3A_167 = arith.cmpi eq, %jit3A_166, %eq3A : i32
        %jit3A_168 = arith.constant 1 : i32
        %select_n3A_169 = arith.select %eq3A_167, %jit3A_168, %jit3A_166 : i32
        %rem3A_170 = arith.remsi %scan3A_147, %select_n3A_169 : i32
        %ne3A_171 = arith.constant 0 : i32
        %ne3A_172 = arith.cmpi ne, %rem3A_170, %ne3A_171 : i32
        %lt3A_173 = arith.constant 0 : i32
        %lt3A_174 = arith.cmpi slt, %rem3A_170, %lt3A_173 : i32
        %lt3A_175 = arith.constant 0 : i32
        %lt3A_176 = arith.cmpi slt, %select_n3A_169, %lt3A_175 : i32
        %ne3A_177 = arith.xori %lt3A_174, %lt3A_176 : i1
        %and3A_178 = arith.andi %ne3A_177, %ne3A_172 : i1
        %add3A_179 = arith.addi %rem3A_170, %select_n3A_169 : i32
        %select_n3A_180 = arith.select %and3A_178, %add3A_179, %rem3A_170 : i32
        %dma_wait3A_181 = arith.constant 0 : i32
        %dma_wait3A_182 = arith.constant 0 : i32
        %dma_wait3A_183 = tpu.memref_slice %arg12[%select_n3A_180, %dma_wait3A_181, %dma_wait3A_182] : memref<4x16x128xf32, #tpu.memory_space<vmem>> -> memref<1x16x128xf32, #tpu.memory_space<vmem>>
        %dma_wait3A_184 = tpu.memref_squeeze %dma_wait3A_183 : memref<1x16x128xf32, #tpu.memory_space<vmem>> -> memref<16x128xf32, #tpu.memory_space<vmem>>
        %dma_wait3A_185 = arith.constant 0 : i32
        %dma_wait3A_186 = arith.constant 0 : i32
        %dma_wait3A_187 = tpu.memref_slice %arg4[%dma_wait3A_185, %dma_wait3A_186] : memref<16384x128xf32, #tpu.memory_space<hbm>> -> memref<16384x128xf32, #tpu.memory_space<hbm>>
        tpu.wait_indirect_dma semaphore(%arg16 : memref<!tpu.dma_semaphore, #tpu.memory_space<semaphore_mem>>) src(%dma_wait3A_187 : memref<16384x128xf32, #tpu.memory_space<hbm>>) dst(%dma_wait3A_184 : memref<16x128xf32, #tpu.memory_space<vmem>>)
        %mul3A_188 = arith.constant 16 : i32
        %mul3A_189 = arith.muli %scan3A_147, %mul3A_188 : i32
        %get3A_190 = arith.index_cast %mul3A_189 : i32 to index
        %get3A_191 = tpu.vector_load %arg8[%get3A_190] {strides = array<i32>} : memref<3168xi32, #tpu.memory_space<vmem>>, vector<16xi32>,
        %jit3A_192 = arith.constant 4 : i32
        %eq3A_193 = arith.constant 0 : i32
        %eq3A_194 = arith.cmpi eq, %jit3A_192, %eq3A_193 : i32
        %jit3A_195 = arith.constant 1 : i32
        %select_n3A_196 = arith.select %eq3A_194, %jit3A_195, %jit3A_192 : i32
        %rem3A_197 = arith.remsi %scan3A_147, %select_n3A_196 : i32
        %ne3A_198 = arith.constant 0 : i32
        %ne3A_199 = arith.cmpi ne, %rem3A_197, %ne3A_198 : i32
        %lt3A_200 = arith.constant 0 : i32
        %lt3A_201 = arith.cmpi slt, %rem3A_197, %lt3A_200 : i32
        %lt3A_202 = arith.constant 0 : i32
        %lt3A_203 = arith.cmpi slt, %select_n3A_196, %lt3A_202 : i32
        %ne3A_204 = arith.xori %lt3A_201, %lt3A_203 : i1
        %and3A_205 = arith.andi %ne3A_204, %ne3A_199 : i1
        %add3A_206 = arith.addi %rem3A_197, %select_n3A_196 : i32
        %select_n3A_207 = arith.select %and3A_205, %add3A_206, %rem3A_197 : i32
        %dma_start3A_208 = arith.constant 0 : i32
        %dma_start3A_209 = arith.constant 0 : i32
        %dma_start3A_210 = tpu.memref_slice %arg12[%select_n3A_207, %dma_start3A_208, %dma_start3A_209] : memref<4x16x128xf32, #tpu.memory_space<vmem>> -> memref<1x16x128xf32, #tpu.memory_space<vmem>>
        %dma_start3A_211 = tpu.memref_squeeze %dma_start3A_210 : memref<1x16x128xf32, #tpu.memory_space<vmem>> -> memref<16x128xf32, #tpu.memory_space<vmem>>
        %dma_start3A_212 = arith.constant 0 : i32
        %dma_start3A_213 = arith.constant 0 : i32
        %dma_start3A_214 = tpu.memref_slice %arg5[%dma_start3A_212, %dma_start3A_213] : memref<100000x128xf32, #tpu.memory_space<hbm>> -> memref<100000x128xf32, #tpu.memory_space<hbm>>
        tpu.enqueue_indirect_dma source(%dma_start3A_211 : memref<16x128xf32, #tpu.memory_space<vmem>>) target(%dma_start3A_214 : memref<100000x128xf32, #tpu.memory_space<hbm>>) offsets(%get3A_191 : vector<16xi32>) semaphore(%arg17 : memref<!tpu.dma_semaphore, #tpu.memory_space<semaphore_mem>>)
      } else {
      }
    }
    %scan3A_137 = arith.constant 198 : i32
    %ge3A = arith.constant 1 : i32
    %ge3A_138 = arith.cmpi sge, %select_n3A_121, %ge3A : i32
    %convert_element_type3A_139 = arith.extui %ge3A_138 : i1 to i32
    %cond3A_140 = arith.constant 0 : i32
    %cond3A_141 = arith.cmpi ne, %convert_element_type3A_139, %cond3A_140 : i32
    scf.if %cond3A_141 {
      %get3A = arith.constant 0 : index
      %get3A_147 = tpu.vector_load %arg8[%get3A] {strides = array<i32>} : memref<3168xi32, #tpu.memory_space<vmem>>, vector<16xi32>,
      %dma_wait3A_148 = arith.constant 0 : i32
      %dma_wait3A_149 = arith.constant 0 : i32
      %dma_wait3A_150 = arith.constant 0 : i32
      %dma_wait3A_151 = tpu.memref_slice %arg12[%dma_wait3A_148, %dma_wait3A_149, %dma_wait3A_150] : memref<4x16x128xf32, #tpu.memory_space<vmem>> -> memref<1x16x128xf32, #tpu.memory_space<vmem>>
      %dma_wait3A_152 = tpu.memref_squeeze %dma_wait3A_151 : memref<1x16x128xf32, #tpu.memory_space<vmem>> -> memref<16x128xf32, #tpu.memory_space<vmem>>
      %dma_wait3A_153 = arith.constant 0 : i32
      %dma_wait3A_154 = arith.constant 0 : i32
      %dma_wait3A_155 = tpu.memref_slice %arg5[%dma_wait3A_153, %dma_wait3A_154] : memref<100000x128xf32, #tpu.memory_space<hbm>> -> memref<100000x128xf32, #tpu.memory_space<hbm>>
      tpu.wait_indirect_dma semaphore(%arg17 : memref<!tpu.dma_semaphore, #tpu.memory_space<semaphore_mem>>) src(%dma_wait3A_152 : memref<16x128xf32, #tpu.memory_space<vmem>>) dst(%dma_wait3A_155 : memref<100000x128xf32, #tpu.memory_space<hbm>>)
    } else {
    }
    %ge3A_142 = arith.constant 2 : i32
    %ge3A_143 = arith.cmpi sge, %select_n3A_121, %ge3A_142 : i32
    %convert_element_type3A_144 = arith.extui %ge3A_143 : i1 to i32
    %cond3A_145 = arith.constant 0 : i32
    %cond3A_146 = arith.cmpi ne, %convert_element_type3A_144, %cond3A_145 : i32
    scf.if %cond3A_146 {
      %get3A = arith.constant 0 : index
      %get3A_147 = tpu.vector_load %arg8[%get3A] {strides = array<i32>} : memref<3168xi32, #tpu.memory_space<vmem>>, vector<16xi32>,
      %dma_wait3A_148 = arith.constant 0 : i32
      %dma_wait3A_149 = arith.constant 0 : i32
      %dma_wait3A_150 = arith.constant 0 : i32
      %dma_wait3A_151 = tpu.memref_slice %arg12[%dma_wait3A_148, %dma_wait3A_149, %dma_wait3A_150] : memref<4x16x128xf32, #tpu.memory_space<vmem>> -> memref<1x16x128xf32, #tpu.memory_space<vmem>>
      %dma_wait3A_152 = tpu.memref_squeeze %dma_wait3A_151 : memref<1x16x128xf32, #tpu.memory_space<vmem>> -> memref<16x128xf32, #tpu.memory_space<vmem>>
      %dma_wait3A_153 = arith.constant 0 : i32
      %dma_wait3A_154 = arith.constant 0 : i32
      %dma_wait3A_155 = tpu.memref_slice %arg5[%dma_wait3A_153, %dma_wait3A_154] : memref<100000x128xf32, #tpu.memory_space<hbm>> -> memref<100000x128xf32, #tpu.memory_space<hbm>>
      tpu.wait_indirect_dma semaphore(%arg17 : memref<!tpu.dma_semaphore, #tpu.memory_space<semaphore_mem>>) src(%dma_wait3A_152 : memref<16x128xf32, #tpu.memory_space<vmem>>) dst(%dma_wait3A_155 : memref<100000x128xf32, #tpu.memory_space<hbm>>)
    } else {
    }
    return
  }
}

</mosaic_0001>

<sc_bundles>
// kernel: kernel.3.cloned.1.call-start
scs
__scs_entry_jumppad:
0x0: {  	(pc) =	sbr.rel $0x88, $3  }
0x1: {  	(tag) =	ssettag $0x0;
	lr =	simm.s32 $0x1  }
0x2: {  	[smem:$0x3F9E] =	sst lr;
	_ =	strace $0xD0000000  }
0x3: {  	_ = 	snop  }
0x4: {  	_ = 	snop  }
0x5: {  	_ = 	snop  }
0x6: {  	_ = 	snop  }
0x7: {  	_ = 	snop  }
__scs_overlays_trampoline_lowered:
0x8: {  	[smem:$0x3FAD] =	sst s0  }
0x9: {  	[smem:$0x3FAE] =	sst s1  }
0xa: {  	[smem:$0x3FAF] =	sst s2  }
0xb: {  	[smem:$0x3FB0] =	sst s3  }
0xc: {  	[smem:$0x3FB1] =	sst s4  }
0xd: {  	[smem:$0x3FB2] =	sst s5  }
0xe: {  	[smem:$0x3FB3] =	sst s6  }
0xf: {  	[smem:$0x3FB4] =	sst s7  }
0x10: {  	[smem:$0x3FB5] =	sst s8  }
0x11: {  	[smem:$0x3FB6] =	sst s9;
	s0 =	simm.s32 @!p0 $0x0  }
0x12: {  	s1 =	sld [smem:$0x3F9C];
	s0 =	simm.s32 @p0 $0x1  }
0x13: {  	[smem:$0x3FB7] =	sst s0;
	s0 =	simm.s32 @!p1 $0x0  }
0x14: {  	s2 =	sld [smem:$0x3F9B];
	s0 =	simm.s32 @p1 $0x1  }
0x15: {  	[smem:$0x3FB8] =	sst s0;
	s0 =	simm.s32 @!p2 $0x0  }
0x16: {  	s3 =	sld [smem:$0x3FDB];
	s0 =	simm.s32 @p2 $0x1  }
0x17: {  	s4 =	simm.s32 $0x1BF5;
	[smem:$0x3FBA] =	sst s0  }
0x18: {  	s0 =	sld [smem:$0x3F9D];
	_ =	swait.ge [sflag:s4], $0x0  }
0x19: {  	s7 =	sld [smem:$0x3F9E]  }
0x1a: {  	s8 =	sadd.s32 $0xFFFFE003, lr  }
0x1b: {  	s9 =	sadd.s32 $0xFFFFFEF7, lr;
	s5 =	simm.s32 $0xFFFFFFFF;
	p2 =	slt.u32 s8, $0xFFFFF086  }
0x1c: {  	p1 =	slt.u32 s9, $0xF7A;
	s5 =	simm.s32 @!p2 $0x0  }
0x1d: {  	s5 =	simm.s32 @p1 $0x1;
	p0 =	seq.s32 s7, s2  }
0x1e: {  	s7 =	smul.u32 @!p0 $0xF7A, s2;
	p2 =	seq.s32 @!p0 s5, $0x0  }
0x1f: {  	s9 =	smul.u32 $0xF7A, s1;
	s8 =	simm.s32 @!p0 $0x1BF5;
	p2 =	por !p2, p0  }
0x20: {  	[sflag:s8] =	ssyncset.s32 @!p0 $0xFFFFF086;
	s6 =	sadd.s32 @!p0 s3, s7;
	s7 =	simm.s32 @!p0 $0x108  }
0x21: {  	s3 =	sadd.s32 s3, s9;
	s6 =	sadd.s32 @!p0 $0x88, s6;
	s7 =	simm.s32 @p2 $0x1082  }
0x22: {  	[simem:s7], [sflag:s8] =	dma.local @!p0 [hbm:s6], $0xF7A  }
0x23: {  	s9 =	sor.u32 $0xD0000000, s2;
	s6 =	simm.s32 $0x108;
	_ =	swait.ge @!p0 [sflag:s8], $0x0  }
0x24: {  	s3 =	sadd.s32 $0x88, s3;
	s6 =	simm.s32 @!p1 $0x1082;
	[sflag:s4] =	ssyncset.s32 $0xFFFFF086  }
0x25: {  	[simem:s6], [sflag:s4] =	dma.local [hbm:s3], $0xF7A  }
0x26: {  	[smem:$0x3F9E] =	sst s1;
	(tag) =	ssettag s2;
	_ =	strace s9  }
0x27: {  	s1 =	sld [smem:$0x3FAE]  }
0x28: {  	s2 =	sld [smem:$0x3FAF]  }
0x29: {  	s4 =	sld [smem:$0x3FB1]  }
0x2a: {  	p0 =	seq.s32 s5, $0x0;
	s5 =	sld [smem:$0x3FB2]  }
0x2b: {  	s6 =	sld [smem:$0x3FB3]  }
0x2c: {  	s7 =	sld [smem:$0x3FB4]  }
0x2d: {  	s3 =	simm.s32 $0x108;
	s8 =	sld [smem:$0x3FB5]  }
0x2e: {  	s3 =	simm.s32 @!p0 $0x1082;
	s9 =	sld [smem:$0x3FB6]  }
0x2f: {  	lr =	sadd.s32 s0, s3;
	s0 =	sld [smem:$0x3FAD]  }
0x30: {  	s3 =	sld [smem:$0x3FB0]  }
0x31: {  	[smem:$0x3FB9] =	sst s10  }
0x32: {  	s10 =	sld [smem:$0x3FB7];
	_ =	sdelay $0x3  }
0x33: {  	p0 =	seq.s32 s10, $0x1;
	s10 =	sld [smem:$0x3FB9];
	_ =	sdelay $0x3  }
0x34: {  	[smem:$0x3FB9] =	sst s10  }
0x35: {  	s10 =	sld [smem:$0x3FB8];
	_ =	sdelay $0x3  }
0x36: {  	p1 =	seq.s32 s10, $0x1;
	s10 =	sld [smem:$0x3FB9];
	_ =	sdelay $0x3  }
0x37: {  	[smem:$0x3FB9] =	sst s10  }
0x38: {  	s10 =	sld [smem:$0x3FBA]  }
0x39: {  	_ = 	snop;
	(pc) =	sbr.ind lr, $3  }
0x3a: {  	_ = 	snop  }
0x3b: {  	_ = 	snop  }
0x3c: {  	p2 =	seq.s32 s10, $0x1;
	s10 =	sld [smem:$0x3FB9]  }
0x3d: {  	_ =	shalt  }
0x3e: {  	_ =	shalt  }
0x3f: {  	_ =	shalt  }
0x40: {  	_ =	shalt  }
0x41: {  	_ =	shalt  }
0x42: {  	_ =	shalt  }
0x43: {  	_ =	shalt  }
0x44: {  	_ =	shalt  }
0x45: {  	_ =	shalt  }
0x46: {  	_ =	shalt  }
0x47: {  	_ =	shalt  }
0x48: {  	_ =	shalt  }
0x49: {  	_ =	shalt  }
0x4a: {  	_ =	shalt  }
0x4b: {  	_ =	shalt  }
0x4c: {  	_ =	shalt  }
0x4d: {  	_ =	shalt  }
0x4e: {  	_ =	shalt  }
0x4f: {  	_ =	shalt  }
0x50: {  	_ =	shalt  }
0x51: {  	_ =	shalt  }
0x52: {  	_ =	shalt  }
0x53: {  	_ =	shalt  }
0x54: {  	_ =	shalt  }
0x55: {  	_ =	shalt  }
0x56: {  	_ =	shalt  }
0x57: {  	_ =	shalt  }
0x58: {  	_ =	shalt  }
0x59: {  	_ =	shalt  }
0x5a: {  	_ =	shalt  }
0x5b: {  	_ =	shalt  }
0x5c: {  	_ =	shalt  }
0x5d: {  	_ =	shalt  }
0x5e: {  	_ =	shalt  }
0x5f: {  	_ =	shalt  }
0x60: {  	_ =	shalt  }
0x61: {  	_ =	shalt  }
0x62: {  	_ =	shalt  }
0x63: {  	_ =	shalt  }
0x64: {  	_ =	shalt  }
0x65: {  	_ =	shalt  }
0x66: {  	_ =	shalt  }
0x67: {  	_ =	shalt  }
0x68: {  	_ =	shalt  }
0x69: {  	_ =	shalt  }
0x6a: {  	_ =	shalt  }
0x6b: {  	_ =	shalt  }
0x6c: {  	_ =	shalt  }
0x6d: {  	_ =	shalt  }
0x6e: {  	_ =	shalt  }
0x6f: {  	_ =	shalt  }
0x70: {  	_ =	shalt  }
0x71: {  	_ =	shalt  }
0x72: {  	_ =	shalt  }
0x73: {  	_ =	shalt  }
0x74: {  	_ =	shalt  }
0x75: {  	_ =	shalt  }
0x76: {  	_ =	shalt  }
0x77: {  	_ =	shalt  }
0x78: {  	_ =	shalt  }
0x79: {  	_ =	shalt  }
0x7a: {  	_ =	shalt  }
0x7b: {  	_ =	shalt  }
0x7c: {  	_ =	shalt  }
0x7d: {  	_ =	shalt  }
0x7e: {  	_ =	shalt  }
0x7f: {  	_ =	shalt  }
0x80: {  	_ =	shalt  }
0x81: {  	_ =	shalt  }
0x82: {  	_ =	shalt  }
0x83: {  	_ =	shalt  }
0x84: {  	_ =	shalt  }
0x85: {  	_ =	shalt  }
0x86: {  	_ =	shalt  }
0x87: {  	_ =	shalt  }
.Lfunc_end0:
.L_simem_size_0:
called_computation_lowered:
.L_overlay_start_0:
0x88: {  	s2 =	sld [smem:$0x3FD9]  }
0x89: {  	s3 =	sld [smem:$0x3FFE];
	_ =	sdelay $0x1  }
0x8a: {  	s1 =	srdreg.scid  }
0x8b: {  	s0 =	sand.u32 $0x1, s1  }
0x8c: {  	s18 =	sshll.u32 s0, $0xA;
	s2 =	sadd.s32 s3, s2  }
0x8d: {  	s2 =	sadd.s32 s2, s18  }
0x8e: {  	[smem:$0x3FC5] =	sst s2  }
0x8f: {  	_ = 	snop  }
0x90: {  	s2 =	sld [smem:$0x3FC9]  }
0x91: {  	s19 =	sld [smem:$0x3FC8]  }
0x92: {  	s4 =	sld [smem:$0x3FC7]  }
0x93: {  	s5 =	sld [smem:$0x3FD0];
	(tm) =	ssettm $0x1  }
0x94: {  	s6 =	sld [smem:$0x3FFB];
	_ =	sdelay $0x3  }
0x95: {  	_ =	strace s6  }
0x96: {  	s6 =	sld [smem:$0x3FFC];
	_ =	sdelay $0x3  }
0x97: {  	_ =	strace s6  }
0x98: {  	s6 =	sld [smem:$0x3FFD];
	_ =	sdelay $0x3  }
0x99: {  	_ =	strace s6  }
0x9a: {  	_ =	strace $0x8FFFFFFF  }
0x9b: {  	s20 =	sld [smem:$0x3FDB];
	_ =	sdelay $0x1  }
0x9c: {  	s7 =	simm.s32 $_scs_section_size  }
0x9d: {  	s8 =	simm.s32 $_size__tile_overlayer_lowered;
	s9 =	simm.s32 $_tile_overlayer_lowered  }
0x9e: {  	s23 =	simm.s32 $0x1BFF;
	s22 =	sshll.u32 s9, $0x1;
	s6 =	sadd.s32 s7, s20  }
0x9f: {  	s10 =	simm.s32 $0x0;
	s21 =	sshll.u32 s8, $0x1;
	s8 =	sadd.s32 s22, s6  }
0xa0: {  	[timem:s10], [sflag:s23] =	dma.local [hbm:s8], s21  }
0xa1: {  	_ =	swait.ge [sflag:s23], s21  }
0xa2: {  	s7 =	ssub.s32 $0x0, s21;
	[sflag:s23] =	ssyncset.done $0x0  }
0xa3: {  	[sflag:s23] =	ssyncadd.s32 s7;
	_ =	sdelay $0x1  }
0xa4: {  	s24 =	simm.s32 $0x1B8B  }
0xa5: {  	_ =	swait.ge [sflag:s24], $0x1  }
0xa6: {  	[sflag:s24] =	ssyncset.done $0x0  }
0xa7: {  	s25 =	simm.s32 $0x1B8E;
	[sflag:s24] =	ssyncadd.s32 $0xFFFFFFFF  }
0xa8: {  	s26 =	simm.s32 $execute0_lowered;
	[smem:$0x3FD2] =	sst s25  }
0xa9: {  	s7 =	sshll.u32 s26, $0x1;
	_ =	strace $0x80000046;
	[dreg:$0x1] =	wrdreg $0xFFFFFFFF  }
0xaa: {  	s28 =	simm.s32 $_size_execute0_lowered;
	s6 =	sadd.s32 s6, s7;
	[dreg:$0x0] =	wrdreg $0x0  }
0xab: {  	s7 =	sshll.u32 s28, $0x1;
	[dreg:$0x2] =	wrdreg s6  }
0xac: {  	[dreg:$0x3] =	wrdreg s7  }
0xad: {  	[dreg:$0x4] =	wrdreg $0xC0  }
0xae: {  	_ =	task [dreg:s10], $0x5FFFF  }
0xaf: {  	[dreg:$0x1] =	wrdreg $0xFFFFFFFF  }
0xb0: {  	[dreg:$0x0] =	wrdreg $0x60  }
0xb1: {  	[dreg:$0x2] =	wrdreg s2  }
0xb2: {  	[dreg:$0x3] =	wrdreg s19  }
0xb3: {  	[dreg:$0x4] =	wrdreg s4  }
0xb4: {  	[dreg:$0x5] =	wrdreg s5  }
0xb5: {  	[dreg:$0x6] =	wrdreg $0x9  }
0xb6: {  	_ =	task.clear_ibuf [dreg:s10], $0x7FFFF;
	_ =	strace $0x90000046  }
0xb7: {  	s29 =	simm.s32 $0x9;
	_ =	strace $0x80000048  }
0xb8: {  	_ =	swait.ge [sflag:s29], $0x1  }
0xb9: {  	[sflag:s29] =	ssyncadd.s32 $0xFFFFFFFF  }
0xba: {  	_ =	strace $0x90000048  }
0xbb: {  	_ =	sfence  }
0xbc: {  	s30 =	sld [smem:$0x0];
	_ =	sdelay $0x2  }
0xbd: {  	s31 =	sshll.u32 s1, $0xD;
	s1 =	sshrl.u32 s1, $0x2  }
0xbe: {  	s3 =	sand.u32 $0x4000, s31;
	s1 =	sadd.s32 s1, s30  }
0xbf: {  	s0 =	sor.u32 s3, s0;
	s1 =	sshll.u32 s1, $0x11  }
0xc0: {  	s0 =	sor.u32 s1, s0  }
0xc1: {  	s0 =	sadd.s32 $0x8F2B, s0  }
0xc2: {  	[sflag:s0] =	ssyncadd.remote.s32 $0x1  }
0xc3: {  	_ =	sfence.sel $0xFFFF  }
0xc4: {  	[dreg:$0x0] =	wrdreg $0xFFFFFFFF;
	(pc) =	sbr.abs _section_cstart, $3  }
0xc5: {  	[dreg:$0x1] =	wrdreg $0xFFFFFFFF  }
0xc6: {  	_ =	task.clear_ibuf [dreg:s10], $0x2FFFF;
	_ =	strace $0x9FFFFFFF  }
0xc7: {  	(tm) =	ssettm $0x7FFFFFFF  }
tec
execute0_lowered:
.L_overlay_start_1:
0x0: {  	(tag) =	ssettag $0x1  }
0x1: {  	s1 =	rddreg [dreg:$0x0]  }
0x2: {  	s2 =	rddreg [dreg:$0x1]  }
0x3: {  	s4 =	rddreg [dreg:$0x2];
	s3 =	srdreg.scid  }
0x4: {  	s0 =	stileid.u32;
	s5 =	rddreg [dreg:$0x3]  }
0x5: {  	s17 =	simm.s32 $0xC38;
	s14 =	simm.s32 $0x6580;
	s15 =	simm.s32 $0xA180  }
0x6: {  	s16 =	simm.s32 $0xDD80;
	s18 =	simm.s32 $0x4000;
	s19 =	simm.s32 $0x2  }
0x7: {  	s20 =	simm.s32 $0x3;
	s7 =	sand.u32 $0x1, s3;
	s6 =	sshll.u32 s0, $0x1  }
0x8: {  	s21 =	simm.s32 $0x0;
	p0 =	slt.u32 s0, $0xA;
	s8 =	sor.u32 s7, s6  }
0x9: {  	s6 =	simm.s32 $0x0;
	s7 =	ssub.s32 $0x2, s7;
	s9 =	smul.u32 $0x186, s8  }
0xa: {  	s17 =	simm.s32 @!p0 $0xC30;
	p0 =	sgt.u32 s0, $0x9;
	s8 =	smin.u32 s8, $0x14  }
0xb: {  	[smem:$0x7FF] =	sst s6;
	s10 =	sshrl.u32 s7, $0x1;
	s31 =	sadd.s32 s8, s9  }
0xc: {  	v2 =	vmov s17;
	s17 =	simm.s32 $0x1;
	s13 =	ssub.s32 s7, s10;
	s11 =	sshll.u32 s31, $0x7  }
0xd: {  	v1 =	vlaneseq.u32;
	_ =	strace $0x80000047;
	s13 =	smax.u32 s13, $0x1;
	s8 =	sadd.s32 s1, s11  }
0xe: {  	v4 =	vimm.s32 $0xFFFFFFFF;
	v5 =	vimm.f32 $0.0e+00;
	v6 =	vimm.s32 $0x0;
	s7 =	sshll.u32 s31, $0x3;
	s12 =	sadd.s32 $0xC300, s11;
	s9 =	sadd.s32 $0x780, s8  }
0xf: {  	v7 =	vor.u32 $0x80000000, v1;
	v0 =	vmov s7;
	v3 =	vadd.s32 s7, v1;
	s10 =	sadd.s32 $0xF00, s8;
	s11 =	sadd.s32 s1, s12;
	s12 =	sadd.s32 s5, s12  }
.LBB2_1:
0x10: {  	[tilespmem:s6], [sflag:$0x1] =	stream.linear.gather [hbm4b:s2+s6], $0x4000, $0x38;
	[tilespmem:$0x17980] =	vst v63  }
0x11: {  	_ = 	snop  }
0x12: {  	[tilespmem:s14], [sflag:$0x2] =	stream.linear.gather [hbm4b:s8+s6], $0x3C00, $0x38;
	[tilespmem:$0x17980] =	vst v63  }
0x13: {  	_ = 	snop  }
0x14: {  	[tilespmem:s15], [sflag:$0x2] =	stream.linear.gather [hbm4b:s9+s6], $0x3C00, $0x38;
	[tilespmem:$0x17980] =	vst v63  }
0x15: {  	s22 =	simm.s32 $0x40;
	s23 =	simm.s32 $0x0  }
0x16: {  	[tilespmem:s16], [sflag:$0x2] =	stream.linear.gather [hbm4b:s10+s6], $0x3C00, $0x38;
	[tilespmem:$0x17980] =	vst v63  }
.LBB2_2:
0x17: {  	p1 =	sne.s32 s22, $0x30C0;
	[tilespmem:s23+$0x4000] =	vst v4;
	s23 =	smov.u32 s22;
	s22 =	sadd.s32 $0x40, s22  }
.Ltmp0:
0x18: {  	(pc) =	sbr.rel @p1 .LBB2_2-.Ltmp0, $2  }
0x19: {  	_ =	sdelay $0x2  }
0x1a: {  	s23 =	sshra.s32 s23, $0x2  }
.Ltmp1:
0x1b: {  	(pc) =	sbr.rel .LBB2_4-.Ltmp1, $4  }
0x1c: {  	[tilespmem:s23+$0x4000] =	vst v4  }
0x1d: {  	_ =	swait.ge [sflag:s17], $0x4000  }
0x1e: {  	[sflag:s17] =	ssyncset.done $0x0  }
0x1f: {  	s22 =	simm.s32 $0x0;
	[sflag:s17] =	ssyncadd.s32 $0xFFFFC000  }
.LBB2_11:
0x20: {  	s23 =	sand.u32 $0x3, s22;
	s24 =	smul.u32 $0x78, s22  }
0x21: {  	s23 =	smul.u32 $0xF000, s23  }
0x22: {  	_ =	swait.ge [sflag:s19], $0x3C00;
	p1 =	seq.s32 s22, $0x0;
	s24 =	sadd.s32 s7, s24  }
0x23: {  	[sflag:s19] =	ssyncset.done $0x0;
	s23 =	sshrl.u32 s23, $0x2;
	s24 =	sshll.u32 s24, $0x4  }
0x24: {  	[sflag:s19] =	ssyncadd.s32 $0xFFFFC400;
	s23 =	sadd.s32 $0x6580, s23;
	s24 =	sadd.s32 s5, s24  }
0x25: {  	[hbm4b:s24+s6] =	stream.linear.scatter [tilespmem:s23], [sflag:$0x3], $0x3C00, $0x38;
	[tilespmem:$0x17980] =	vst v63  }
0x26: {  	s23 =	simm.s32 @!p1 $0x3  }
0x27: {  	p2 =	sgt.u32 @!p1 s22, $0x16;
	_ =	swait.ge @!p1 [sflag:s23], $0x3C00  }
0x28: {  	p2 =	por p1, !p2;
	[sflag:s23] =	ssyncset.done @!p1 $0x0  }
0x29: {  	[sflag:s23] =	ssyncadd.s32 @!p1 $0xFFFFC400;
	s23 =	sadd.s32 @p2 $0x3, s22  }
0x2a: {  	s22 =	sadd.s32 $0x1, s22;
	s24 =	sand.u32 @p2 $0x3, s23;
	s23 =	smul.u32 @p2 $0x78, s23  }
0x2b: {  	p1 =	sne.s32 s22, $0x1A;
	s24 =	smul.u32 @p2 $0xF000, s24  }
.Ltmp2:
0x2c: {  	_ = 	snop;
	(pc) =	sbr.rel @!p1 .LBB2_12-.Ltmp2, $4  }
0x2d: {  	s23 =	sadd.s32 @p2 s7, s23  }
0x2e: {  	s24 =	sshrl.u32 @p2 s24, $0x2;
	s23 =	sshll.u32 @p2 s23, $0x4  }
0x2f: {  	s24 =	sadd.s32 @p2 $0x6580, s24;
	s23 =	sadd.s32 @p2 s1, s23  }
0x30: {  	[tilespmem:s24], [sflag:$0x2] =	stream.linear.gather @p2 [hbm4b:s23+s6], $0x3C00, $0x38;
	[tilespmem:$0x17980] =	vst v63  }
.LBB2_4:
.Ltmp3:
0x31: {  	(pc) =	sbr.rel .LBB2_5-.Ltmp3, $2  }
0x32: {  	_ =	sdelay $0x2  }
0x33: {  	s23 =	smul.u32 $0x28, s22;
	s24 =	simm.s32 $0x0  }
.LBB2_10:
0x34: {  	s24 =	sadd.s32 $0x1, s24  }
0x35: {  	p1 =	sne.s32 s24, $0x14  }
.Ltmp4:
0x36: {  	_ = 	snop;
	(pc) =	sbr.rel @!p1 .LBB2_11-.Ltmp4, $1  }
0x37: {  	_ =	sdelay $0x3  }
.LBB2_5:
0x38: {  	s25 =	sshll.u32 s24, $0x1  }
0x39: {  	s25 =	sadd.s32 s23, s25  }
0x3a: {  	p1 =	sgt.u32 s25, $0x3FF  }
.Ltmp5:
0x3b: {  	_ = 	snop;
	(pc) =	sbr.rel @p1 .LBB2_10-.Ltmp5, $1  }
0x3c: {  	_ =	sdelay $0x3  }
0x3d: {  	s25 =	sshll.u32 s25, $0x4  }
0x3e: {  	v8 =	vld [tilespmem:s25+$0x0];
	_ =	sdelay $0x4  }
0x3f: {  	v8 =	vsub.s32 v8, v0  }
0x40: {  	vm0 =	vgt.s32 v8, $0xFFFFFFFF;
	vm1 =	vlt.s32 v8, v2  }
0x41: {  	vm0 =	vmand vm0, vm1  }
0x42: {  	v8 =	vnsel vm0, $0x0, v8;
	_ =	sdelay $0x3  }
0x43: {  	v9 =	vor.u32 s25, v1  }
0x44: {  	[tilespmem:v8+s18+$0x0] =	vst.idx.msk vm0, v9  }
0x45: {  	v10 =	vld.idx.msk [tilespmem:v8+s18+$0x0], vm0;
	_ =	sdelay $0x4  }
0x46: {  	vm1 =	vlt.s32 v10, v9  }
0x47: {  	vm1 =	vmand vm0, vm1  }
0x48: {  	v10 =	vsel vm1, $0x3F800000, v5  }
0x49: {  	(xrf0) =	vmax.scan.msk.f32 $0xffff, v10;
	_ =	sdelay $0x5  }
0x4a: {  	v10, _, _ =	vpop (xrf0)  }
0x4b: {  	(v2sf) =	vpush v10, $0xF;
	_ =	sdelay $0xe  }
0x4c: {  	s26 =	spop (v2sf)  }
0x4d: {  	p1 =	sgt.f32 s26, $0.0e+00  }
.Ltmp6:
0x4e: {  	_ = 	snop;
	(pc) =	sbr.rel @!p1 .LBB2_8-.Ltmp6, $1  }
0x4f: {  	_ =	sdelay $0x3  }
.LBB2_7:
0x50: {  	[tilespmem:v8+s18+$0x0] =	vst.idx.msk vm1, v9  }
0x51: {  	v10 =	vld.idx.msk [tilespmem:v8+s18+$0x0], vm0;
	_ =	sdelay $0x4  }
0x52: {  	vm1 =	vlt.s32 v10, v9  }
0x53: {  	vm1 =	vmand vm0, vm1  }
0x54: {  	v10 =	vsel vm1, $0x3F800000, v5  }
0x55: {  	(xrf0) =	vmax.scan.msk.f32 $0xffff, v10;
	_ =	sdelay $0x5  }
0x56: {  	v10, _, _ =	vpop (xrf0)  }
0x57: {  	(v2sf) =	vpush v10, $0xF;
	_ =	sdelay $0xe  }
0x58: {  	s26 =	spop (v2sf)  }
0x59: {  	p1 =	sgt.f32 s26, $0.0e+00  }
.Ltmp7:
0x5a: {  	_ = 	snop;
	(pc) =	sbr.rel @p1 .LBB2_7-.Ltmp7, $1  }
0x5b: {  	_ =	sdelay $0x3  }
.LBB2_8:
0x5c: {  	s25 =	sor.u32 $0x10, s25  }
0x5d: {  	v8 =	vld [tilespmem:s25+$0x0];
	_ =	sdelay $0x4  }
0x5e: {  	v8 =	vsub.s32 v8, v0  }
0x5f: {  	vm0 =	vgt.s32 v8, $0xFFFFFFFF;
	vm1 =	vlt.s32 v8, v2  }
0x60: {  	vm0 =	vmand vm0, vm1  }
0x61: {  	v8 =	vnsel vm0, $0x0, v8;
	_ =	sdelay $0x3  }
0x62: {  	v9 =	vor.u32 s25, v1  }
0x63: {  	[tilespmem:v8+s18+$0x0] =	vst.idx.msk vm0, v9  }
0x64: {  	v10 =	vld.idx.msk [tilespmem:v8+s18+$0x0], vm0;
	_ =	sdelay $0x4  }
0x65: {  	vm1 =	vlt.s32 v10, v9  }
0x66: {  	vm1 =	vmand vm0, vm1  }
0x67: {  	v10 =	vsel vm1, $0x3F800000, v5  }
0x68: {  	(xrf0) =	vmax.scan.msk.f32 $0xffff, v10;
	_ =	sdelay $0x5  }
0x69: {  	v10, _, _ =	vpop (xrf0)  }
0x6a: {  	(v2sf) =	vpush v10, $0xF;
	_ =	sdelay $0xe  }
0x6b: {  	s31 =	spop (v2sf)  }
0x6c: {  	p1 =	sgt.f32 s31, $0.0e+00  }
.Ltmp8:
0x6d: {  	_ = 	snop;
	(pc) =	sbr.rel @!p1 .LBB2_10-.Ltmp8, $1  }
0x6e: {  	_ =	sdelay $0x3  }
.LBB2_9:
0x6f: {  	[tilespmem:v8+s18+$0x0] =	vst.idx.msk vm1, v9  }
0x70: {  	v10 =	vld.idx.msk [tilespmem:v8+s18+$0x0], vm0;
	_ =	sdelay $0x4  }
0x71: {  	vm1 =	vlt.s32 v10, v9  }
0x72: {  	vm1 =	vmand vm0, vm1  }
0x73: {  	v10 =	vsel vm1, $0x3F800000, v5  }
0x74: {  	(xrf0) =	vmax.scan.msk.f32 $0xffff, v10;
	_ =	sdelay $0x5  }
0x75: {  	v10, _, _ =	vpop (xrf0)  }
0x76: {  	(v2sf) =	vpush v10, $0xF;
	_ =	sdelay $0xe  }
0x77: {  	s25 =	spop (v2sf)  }
0x78: {  	p1 =	sgt.f32 s25, $0.0e+00  }
.Ltmp9:
0x79: {  	_ = 	snop;
	(pc) =	sbr.rel @p1 .LBB2_9-.Ltmp9, $1  }
0x7a: {  	_ =	sdelay $0x3  }
.Ltmp10:
0x7b: {  	_ = 	snop;
	(pc) =	sbr.rel .LBB2_10-.Ltmp10, $1  }
0x7c: {  	_ =	sdelay $0x3  }
.LBB2_12:
0x7d: {  	_ =	swait.ge [sflag:s20], $0x3C00  }
0x7e: {  	s22 =	simm.s32 @!p0 $0x0;
	[sflag:s20] =	ssyncset.done $0x0  }
0x7f: {  	s23 =	simm.s32 @!p0 $0x15580;
	s24 =	simm.s32 @!p0 $0x2;
	[sflag:s20] =	ssyncadd.s32 $0xFFFFC400  }
0x80: {  	[tilespmem:s23], [sflag:$0x2] =	stream.linear.gather @!p0 [hbm4b:s11+s22], $0x400, $0x38;
	[tilespmem:$0x17980] =	vst v63  }
0x81: {  	_ =	swait.ge @!p0 [sflag:s24], $0x400  }
0x82: {  	[sflag:s24] =	ssyncset.done @!p0 $0x0  }
0x83: {  	[sflag:s24] =	ssyncadd.s32 @!p0 $0xFFFFFC00  }
0x84: {  	[hbm4b:s12+s22] =	stream.linear.scatter @!p0 [tilespmem:s23], [sflag:$0x3], $0x400, $0x38;
	[tilespmem:$0x17980] =	vst v63  }
0x85: {  	s22 =	simm.s32 @!p0 $0x3  }
0x86: {  	_ =	swait.ge @!p0 [sflag:s22], $0x400  }
0x87: {  	[sflag:s22] =	ssyncset.done @!p0 $0x0  }
0x88: {  	s25 =	simm.s32 $0x4000;
	[sflag:s22] =	ssyncadd.s32 @!p0 $0xFFFFFC00  }
0x89: {  	v8 =	vld [tilespmem:s25+$0x0];
	_ =	sdelay $0x4  }
0x8a: {  	s26 =	simm.s32 $0x0;
	vm0 =	vgt.s32 v8, $0xFFFFFFFF  }
0x8b: {  	v9 =	vor.u32 s26, v7;
	v10 =	vsel vm0, $0x1, v6  }
0x8c: {  	v9 =	vnsel vm0, $0x7FFFFFFF, v9;
	(xrf0) =	vadd.scan.msk.s32 $0xffff, v10  }
0x8d: {  	(xrf0) =	vmax.scan.msk.u32 $0xffff, v9;
	_ =	sdelay $0x4  }
0x8e: {  	v57, _, _ =	vpop (xrf0)  }
0x8f: {  	v58 =	vadd.s32 s26, v3;
	(v2sf) =	vpush v57, $0xF;
	v59, _, _ =	vpop (xrf0)  }
0x90: {  	[tilespmem:s26+$0x4C80] =	vst.msk vm0, v58;
	(v2sf) =	vpush v59, $0xF  }
0x91: {  	s24 =	simm.s32 $0x4010;
	[tilespmem:s26+$0x5900] =	vst.msk vm0, v8  }
0x92: {  	v8 =	vld [tilespmem:s24+$0x0];
	_ =	sdelay $0x4  }
0x93: {  	s29 =	simm.s32 $0x10;
	vm15 =	vgt.s32 v8, $0xFFFFFFFF  }
0x94: {  	v60 =	vor.u32 s29, v7;
	v61 =	vsel vm15, $0x1, v6  }
0x95: {  	v9 =	vnsel vm15, $0x7FFFFFFF, v60;
	(xrf0) =	vadd.scan.msk.s32 $0xffff, v61  }
0x96: {  	(xrf0) =	vmax.scan.msk.u32 $0xffff, v9;
	_ =	sdelay $0x3  }
0x97: {  	s30 =	spop (v2sf)  }
0x98: {  	v62 =	vadd.s32 s29, v3;
	v10, _, _ =	vpop (xrf0);
	s22 =	sadd.s32 $0x0, s30;
	s31 =	spop (v2sf)  }
0x99: {  	s23 =	simm.s32 $0x20;
	v63, _, _ =	vpop (xrf0);
	(v2sf) =	vpush v10, $0xF;
	[tilespmem:s22+$0x4C80] =	vst.msk vm15, v62;
	s28 =	sxor.u32 $0x80000000, s31  }
0x9a: {  	s25 =	simm.s32 $0xFFFFFFFF;
	s26 =	simm.s32 $0x30;
	(v2sf) =	vpush v63, $0xF;
	[tilespmem:s22+$0x5900] =	vst.msk vm15, v8;
	p2 =	slt.s32 s28, $0xFFFFFFFF  }
.LBB2_13:
0x9b: {  	s29 =	smov.u32 s25;
	s25 =	smov.u32 s28  }
0x9c: {  	p1 =	sne.s32 s26, $0xC30;
	s24 =	sadd.s32 $0x10, s24;
	s25 =	smov.u32 @p2 s29  }
0x9d: {  	v8 =	vld [tilespmem:s24+$0x0];
	_ =	sdelay $0x4  }
0x9e: {  	v9 =	vor.u32 s23, v7;
	vm0 =	vgt.s32 v8, $0xFFFFFFFF  }
0x9f: {  	v10 =	vsel vm0, $0x1, v6;
	v9 =	vnsel vm0, $0x7FFFFFFF, v9  }
0xa0: {  	(xrf0) =	vadd.scan.msk.s32 $0xffff, v10  }
0xa1: {  	(xrf0) =	vmax.scan.msk.u32 $0xffff, v9;
	_ =	sdelay $0x2  }
.Ltmp11:
0xa2: {  	(pc) =	sbr.rel @p1 .LBB2_13-.Ltmp11, $4  }
0xa3: {  	s28 =	spop (v2sf)  }
0xa4: {  	v11 =	vadd.s32 s23, v3;
	s23 =	smov.u32 s26;
	v10, _, _ =	vpop (xrf0);
	s22 =	sadd.s32 s22, s28;
	s28 =	spop (v2sf)  }
0xa5: {  	[tilespmem:s22+$0x4C80] =	vst.msk vm0, v11;
	(v2sf) =	vpush v10, $0xF;
	v9, _, _ =	vpop (xrf0);
	s28 =	sxor.u32 $0x80000000, s28  }
0xa6: {  	s26 =	sadd.s32 $0x10, s26;
	[tilespmem:s22+$0x5900] =	vst.msk vm0, v8;
	(v2sf) =	vpush v9, $0xF;
	p2 =	sgt.s32 s25, s28  }
0xa7: {  	s24 =	sadd.s32 $0x10, s24  }
0xa8: {  	v8 =	vld [tilespmem:s24+$0x0];
	_ =	sdelay $0x4  }
0xa9: {  	vm0 =	vgt.s32 v8, $0xFFFFFFFF  }
0xaa: {  	v9 =	vor.u32 s23, v7;
	v10 =	vsel vm0, $0x1, v6  }
0xab: {  	v9 =	vnsel vm0, $0x7FFFFFFF, v9;
	(xrf0) =	vadd.scan.msk.s32 $0xffff, v10  }
0xac: {  	(xrf0) =	vmax.scan.msk.u32 $0xffff, v9;
	_ =	sdelay $0x4  }
0xad: {  	v9, _, _ =	vpop (xrf0)  }
0xae: {  	(v2sf) =	vpush v9, $0xF;
	v9, _, _ =	vpop (xrf0)  }
0xaf: {  	(v2sf) =	vpush v9, $0xF;
	_ =	sdelay $0xb  }
0xb0: {  	s31 =	spop (v2sf)  }
0xb1: {  	s26 =	spop (v2sf)  }
0xb2: {  	s28 =	smov.u32 @p2 s25;
	s25 =	sxor.u32 $0x80000000, s26;
	s3 =	spop (v2sf)  }
0xb3: {  	p1 =	sgt.s32 s28, s25;
	s29 =	spop (v2sf)  }
0xb4: {  	s25 =	smov.u32 @p1 s28;
	s28 =	sxor.u32 $0x80000000, s29  }
0xb5: {  	p1 =	sgt.s32 s25, s28  }
0xb6: {  	s28 =	smov.u32 @p1 s25  }
0xb7: {  	p1 =	sgt.s32 s28, $0x0  }
0xb8: {  	s28 =	simm.s32 @!p1 $0x0  }
0xb9: {  	v9 =	vmov s28  }
0xba: {  	s22 =	sadd.s32 s22, s31  }
0xbb: {  	v10 =	vadd.s32 s23, v3;
	s23 =	sadd.s32 s22, s3  }
0xbc: {  	[tilespmem:s22+$0x4C80] =	vst.msk vm0, v10;
	s24 =	sadd.s32 $0xF, s23  }
0xbd: {  	[tilespmem:s22+$0x5900] =	vst.msk vm0, v8;
	s31 =	sand.u32 $0xF, s24;
	s3 =	sshra.s32 s24, $0x1F  }
0xbe: {  	p5 =	slt.s32 s24, $0x1;
	p6 =	sne.s32 s31, $0x0;
	s25 =	sshrl.u32 s3, $0x1C;
	v8 =	vld.idx.msk [tilespmem:v9+s18+$0x0], $0xffff  }
0xbf: {  	s24 =	sadd.s32 s25, s24;
	p1 =	por !p5, !p6  }
0xc0: {  	s25 =	simm.s32 $0x1;
	s26 =	sadd.s32 s7, s28;
	p1 =	por !p1, !p1  }
0xc1: {  	s31 =	sshra.s32 s24, $0x4;
	s25 =	simm.s32 @!p1 $0x0;
	v9 =	vmov s26  }
0xc2: {  	s22 =	ssub.s32 s31, s25;
	[tilespmem:s23+$0x4C80] =	vst v9  }
0xc3: {  	p1 =	slt.s32 s22, $0x1;
	[tilespmem:s23+$0x5900] =	vst v8  }
0xc4: {  	v8 =	vld @!p1 [tilespmem:$0x5900];
	_ =	sdelay $0x5  }
0xc5: {  	p3 =	seq.s32 @!p1 s22, $0x1  }
0xc6: {  	vm0 =	vmmov @!p1 $0xffff;
	s24 =	simm.s32 @!p1 $0x15980;
	p2 =	por p3, p1;
	s23 =	simm.s32 @!p1 $0x0  }
0xc7: {  	[tilespmem:s24], [sflag:$0x4] =	stream.indirect_vreg.gather @!p1 [hbm4b:s4+s23], $0x80, v8, vm0, $0xb8;
	[tilespmem:$0x17980] =	vst v63  }
0xc8: {  	v8 =	vld @!p2 [tilespmem:$0x5910];
	_ =	sdelay $0x4  }
0xc9: {  	p4 =	slt.u32 @!p2 s22, $0x3  }
0xca: {  	p4 =	por @!p1 p4, p3  }
0xcb: {  	vm1 =	vmmov @!p2 $0xffff;
	s25 =	simm.s32 @!p2 $0x0;
	s26 =	simm.s32 @!p2 $0x16180;
	p4 =	por p4, p1  }
0xcc: {  	[tilespmem:s26], [sflag:$0x4] =	stream.indirect_vreg.gather @!p2 [hbm4b:s4+s25], $0x80, v8, vm1, $0xb8;
	[tilespmem:$0x17980] =	vst v63  }
0xcd: {  	v8 =	vld @!p4 [tilespmem:$0x5920];
	_ =	sdelay $0x6  }
0xce: {  	vm2 =	vmmov @!p4 $0xffff;
	s28 =	simm.s32 @!p4 $0x0;
	s29 =	simm.s32 @!p4 $0x16980  }
0xcf: {  	[tilespmem:s29], [sflag:$0x4] =	stream.indirect_vreg.gather @!p4 [hbm4b:s4+s28], $0x80, v8, vm2, $0xb8;
	[tilespmem:$0x17980] =	vst v63  }
0xd0: {  	s28 =	simm.s32 @!p1 $0x4  }
0xd1: {  	_ =	swait.ge @!p1 [sflag:s28], $0x800  }
0xd2: {  	[sflag:s28] =	ssyncset.done @!p1 $0x0  }
0xd3: {  	[sflag:s28] =	ssyncadd.s32 @!p1 $0xFFFFF800  }
0xd4: {  	v8 =	vld @!p1 [tilespmem:$0x4C80];
	_ =	sdelay $0x4  }
0xd5: {  	p4 =	slt.u32 @!p2 s22, $0x4  }
0xd6: {  	p3 =	por @!p1 p4, p3  }
0xd7: {  	p3 =	por p3, p1  }
0xd8: {  	[hbm4b:s5+s23] =	stream.indirect_vreg.scatter @!p1 [tilespmem:s24], [sflag:$0x5], $0x80, v8, vm0, $0xb8;
	[tilespmem:$0x17980] =	vst v63  }
0xd9: {  	v8 =	vld @!p3 [tilespmem:$0x5930];
	_ =	sdelay $0x6  }
0xda: {  	vm0 =	vmmov @!p3 $0xffff;
	s23 =	simm.s32 @!p3 $0x0;
	s24 =	simm.s32 @!p3 $0x17180  }
0xdb: {  	[tilespmem:s24], [sflag:$0x4] =	stream.indirect_vreg.gather @!p3 [hbm4b:s4+s23], $0x80, v8, vm0, $0xb8;
	[tilespmem:$0x17980] =	vst v63  }
0xdc: {  	s23 =	simm.s32 @!p2 $0x4  }
0xdd: {  	_ =	swait.ge @!p2 [sflag:s23], $0x800  }
0xde: {  	[sflag:s23] =	ssyncset.done @!p2 $0x0  }
0xdf: {  	[sflag:s23] =	ssyncadd.s32 @!p2 $0xFFFFF800  }
0xe0: {  	v8 =	vld @!p2 [tilespmem:$0x4C90];
	_ =	sdelay $0x7  }
0xe1: {  	[hbm4b:s5+s25] =	stream.indirect_vreg.scatter @!p2 [tilespmem:s26], [sflag:$0x5], $0x80, v8, vm1, $0xb8;
	[tilespmem:$0x17980] =	vst v63  }
0xe2: {  	p2 =	sle.s32 s22, $0x2  }
0xe3: {  	s24 =	simm.s32 @!p2 $0x5  }
0xe4: {  	p3 =	por p2, p2;
	_ =	swait.ge @!p2 [sflag:s24], $0x800  }
0xe5: {  	p2 =	sle.u32 @!p3 s22, $0x4;
	[sflag:s24] =	ssyncset.done @!p3 $0x0  }
0xe6: {  	s23 =	simm.s32 $0x5940;
	p4 =	por p2, p3;
	[sflag:s24] =	ssyncadd.s32 @!p3 $0xFFFFF800  }
0xe7: {  	v8 =	vld @!p4 [tilespmem:s23+$0x0];
	_ =	sdelay $0x4  }
0xe8: {  	s24 =	simm.s32 $0x2000  }
0xe9: {  	s24 =	sand.u32 @!p4 $0x1800, s24  }
0xea: {  	s29 =	simm.s32 @!p3 $0x4;
	vm0 =	vmmov @!p4 $0xffff;
	s25 =	simm.s32 @!p4 $0x0;
	s24 =	sadd.s32 @!p4 $0x15980, s24  }
0xeb: {  	[tilespmem:s24], [sflag:$0x4] =	stream.indirect_vreg.gather @!p4 [hbm4b:s4+s25], $0x80, v8, vm0, $0xb8;
	[tilespmem:$0x17980] =	vst v63  }
0xec: {  	_ =	swait.ge @!p3 [sflag:s29], $0x800  }
0xed: {  	[sflag:s29] =	ssyncset.done @!p3 $0x0  }
0xee: {  	s30 =	simm.s32 $0x4CA0;
	[sflag:s29] =	ssyncadd.s32 @!p3 $0xFFFFF800  }
0xef: {  	v8 =	vld @!p3 [tilespmem:s30+$0x0];
	_ =	sdelay $0x1  }
0xf0: {  	p5 =	sne.s32 @!p1 s22, $0x1;
	s28 =	simm.s32 $0x6;
	p2 =	por $0x0, $0x0  }
0xf1: {  	s26 =	simm.s32 $0x5;
	p2 =	por @!p1 p5, p5;
	s25 =	simm.s32 @!p3 $0x1000  }
0xf2: {  	p5 =	sle.s32 s22, $0x3;
	s24 =	simm.s32 $0x4CB0;
	s29 =	sand.u32 @!p3 $0x1800, s25  }
0xf3: {  	vm0 =	vmmov @!p3 $0xffff;
	s25 =	simm.s32 $0x2800;
	s29 =	sadd.s32 @!p3 $0x15980, s29;
	s30 =	simm.s32 @!p3 $0x0  }
.LBB2_15:
0xf4: {  	s31 =	simm.s32 @!p5 $0x5  }
0xf5: {  	s23 =	sadd.s32 $0x10, s23;
	s3 =	smov.u32 s28;
	s28 =	sadd.s32 $0x1, s28  }
0xf6: {  	[hbm4b:s5+s30] =	stream.indirect_vreg.scatter @!p3 [tilespmem:s29], [sflag:$0x5], $0x80, v8, vm0, $0xb8;
	[tilespmem:$0x17980] =	vst v63  }
0xf7: {  	p4 =	sne.s32 s28, $0xC8;
	p3 =	por p5, p5;
	_ =	swait.ge @!p5 [sflag:s31], $0x800  }
0xf8: {  	p5 =	sge.u32 @!p3 s26, s22;
	s26 =	smov.u32 s3;
	[sflag:s31] =	ssyncset.done @!p3 $0x0  }
0xf9: {  	p5 =	por p5, p3;
	[sflag:s31] =	ssyncadd.s32 @!p3 $0xFFFFF800  }
0xfa: {  	s3 =	sand.u32 @!p5 $0x1800, s25;
	v8 =	vld @!p5 [tilespmem:s23+$0x0]  }
0xfb: {  	s3 =	sadd.s32 @!p5 $0x15980, s3;
	_ =	sdelay $0x5  }
0xfc: {  	s30 =	simm.s32 @!p3 $0x4;
	vm0 =	vmmov @!p5 $0xffff;
	s29 =	simm.s32 @!p5 $0x0  }
0xfd: {  	[tilespmem:s3], [sflag:$0x4] =	stream.indirect_vreg.gather @!p5 [hbm4b:s4+s29], $0x80, v8, vm0, $0xb8;
	[tilespmem:$0x17980] =	vst v63  }
0xfe: {  	_ =	swait.ge @!p3 [sflag:s30], $0x800  }
0xff: {  	[sflag:s30] =	ssyncset.done @!p3 $0x0  }
0x100: {  	[sflag:s30] =	ssyncadd.s32 @!p3 $0xFFFFF800  }
0x101: {  	v8 =	vld @!p3 [tilespmem:s24+$0x0];
	_ =	sdelay $0x1  }
.Ltmp12:
0x102: {  	(pc) =	sbr.rel @p4 .LBB2_15-.Ltmp12, $4  }
0x103: {  	_ = 	snop  }
0x104: {  	s3 =	sadd.s32 @!p3 $0xFFFFF000, s25;
	s24 =	sadd.s32 $0x10, s24  }
0x105: {  	s29 =	sadd.s32 $0xFFFFFFFE, s26;
	s25 =	sadd.s32 $0x800, s25;
	s3 =	sand.u32 @!p3 $0x1800, s3  }
0x106: {  	vm0 =	vmmov @!p3 $0xffff;
	p5 =	sge.s32 s29, s22;
	s29 =	sadd.s32 @!p3 $0x15980, s3;
	s30 =	simm.s32 @!p3 $0x0  }
0x107: {  	_ =	sdelay $0x2  }
0x108: {  	s3 =	simm.s32 @!p5 $0x5  }
0x109: {  	[hbm4b:s5+s30] =	stream.indirect_vreg.scatter @!p3 [tilespmem:s29], [sflag:$0x5], $0x80, v8, vm0, $0xb8;
	[tilespmem:$0x17980] =	vst v63  }
0x10a: {  	p3 =	por p5, p5;
	_ =	swait.ge @!p5 [sflag:s3], $0x800  }
0x10b: {  	p4 =	sge.u32 @!p3 s26, s22;
	[sflag:s3] =	ssyncset.done @!p3 $0x0  }
0x10c: {  	s22 =	sadd.s32 $0x10, s23;
	p4 =	por p4, p3;
	[sflag:s3] =	ssyncadd.s32 @!p3 $0xFFFFF800  }
0x10d: {  	v8 =	vld @!p4 [tilespmem:s22+$0x0];
	_ =	sdelay $0x5  }
0x10e: {  	s3 =	sand.u32 @!p4 $0x1800, s25  }
0x10f: {  	s23 =	simm.s32 @!p3 $0x4;
	vm0 =	vmmov @!p4 $0xffff;
	s3 =	sadd.s32 @!p4 $0x15980, s3;
	s22 =	simm.s32 @!p4 $0x0  }
0x110: {  	[tilespmem:s3], [sflag:$0x4] =	stream.indirect_vreg.gather @!p4 [hbm4b:s4+s22], $0x80, v8, vm0, $0xb8;
	[tilespmem:$0x17980] =	vst v63  }
0x111: {  	_ =	swait.ge @!p3 [sflag:s23], $0x800  }
0x112: {  	[sflag:s23] =	ssyncset.done @!p3 $0x0  }
0x113: {  	[sflag:s23] =	ssyncadd.s32 @!p3 $0xFFFFF800  }
0x114: {  	v8 =	vld @!p3 [tilespmem:s24+$0x0];
	_ =	sdelay $0x4  }
0x115: {  	s3 =	sadd.s32 @!p3 $0xFFFFF000, s25  }
0x116: {  	s3 =	sand.u32 @!p3 $0x1800, s3  }
0x117: {  	vm0 =	vmmov @!p3 $0xffff;
	s22 =	simm.s32 @!p3 $0x0;
	s3 =	sadd.s32 @!p3 $0x15980, s3  }
0x118: {  	[hbm4b:s5+s22] =	stream.indirect_vreg.scatter @!p3 [tilespmem:s3], [sflag:$0x5], $0x80, v8, vm0, $0xb8;
	[tilespmem:$0x17980] =	vst v63  }
0x119: {  	s3 =	simm.s32 @!p1 $0x5  }
0x11a: {  	_ =	swait.ge @!p1 [sflag:s3], $0x800  }
0x11b: {  	s21 =	sadd.s32 $0x1, s21;
	[sflag:s3] =	ssyncset.done @!p1 $0x0  }
0x11c: {  	[sflag:s3] =	ssyncadd.s32 @!p1 $0xFFFFF800;
	p1 =	sne.s32 s21, s13  }
.Ltmp13:
0x11d: {  	_ = 	snop;
	(pc) =	sbr.rel @p1 .LBB2_1-.Ltmp13, $4  }
0x11e: {  	s3 =	simm.s32 @p2 $0x5  }
0x11f: {  	_ =	swait.ge @p2 [sflag:s3], $0x800  }
0x120: {  	[sflag:s3] =	ssyncset.done @p2 $0x0  }
0x121: {  	[sflag:s3] =	ssyncadd.s32 @p2 $0xFFFFF800  }
0x122: {  	_ =	sfence.sel $0x180000  }
0x123: {  	[bflag:$0x0] =	sbarrier.arrive $0xFFFF  }
0x124: {  	_ =	strace $0x90000047  }
0x125: {  	[bflag:$0x2] =	sbarrier.arrive $0xFFFF  }
0x126: {  	p0 =	sne.s32 s0, $0x0;
	s0 =	rddreg [dreg:$0x4]  }
0x127: {  	s0 =	sadd.s32 @!p0 $0x100000, s0  }
0x128: {  	[sflag:s0] =	ssyncadd.tile.s32 @!p0 $0x1;
	_ =	shalt  }
.Lfunc_end2:
_tile_overlayer_lowered:
.L_overlay_start_2:
0x129: {  	(tag) =	ssettag $0x2  }
0x12a: {  	s0 =	rddreg [dreg:$0x0];
	s2 =	stileid.u32  }
0x12b: {  	s1 =	rddreg [dreg:$0x1];
	p0 =	sne.s32 s2, $0x0  }
0x12c: {  	s3 =	rddreg [dreg:$0x2];
	[bflag:$0x3] =	sbarrier.arrive $0xFFFF;
	s2 =	simm.s32 @!p0 $0x1C06  }
0x12d: {  	[timem:s3], [sflag:s2] =	dma.local @!p0 [hbm:s0], s1  }
0x12e: {  	s0 =	simm.s32 @!p0 $0x6  }
0x12f: {  	_ =	swait.ge @!p0 [sflag:s0], s1  }
0x130: {  	s1 =	ssub.s32 @!p0 $0x0, s1;
	[sflag:s0] =	ssyncset.done @!p0 $0x0  }
0x131: {  	[sflag:s0] =	ssyncadd.s32 @!p0 s1  }
0x132: {  	[bflag:$0x3] =	sbarrier.arrive $0xFFFF  }
0x133: {  	_ =	shalt  }

</sc_bundles>
